<compile_context>
chip_gen: v7x
topology: tpu7x:2x2x1
jax: 0.10.2.dev20260603
libtpu: 0.0.44.dev20260713+nightly
codegen_flags: <defaults>
</compile_context>

<pallas_src>
import functools

import jax
import jax.numpy as jnp
from jax import lax
from jax.experimental import pallas as pl
from jax.experimental.pallas import tpu as pltpu
from jax.experimental.pallas import tpu_sc as plsc

N_EMB = 8192
DIM = 32
N_TOK = 4096
TOK_BLK = 512


def _argmin_body(x_ref, e_ref, x2_ref, e2_ref, idx_ref, loss_ref, acc_ref,
                 te_ref):
    @pl.when(pl.program_id(0) == 0)
    def _prep():
        te_ref[...] = 2.0 * e_ref[...]

    x = x_ref[0]
    x2 = x2_ref[...]
    nchunk = N_EMB // 128

    def chunk_d(g):
        s2 = lax.dot_general(x, te_ref[:, g * 128:(g + 1) * 128],
                             (((0,), (0,)), ((), ())),
                             preferred_element_type=jnp.float32)
        t = x2 + e2_ref[0, g * 128:(g + 1) * 128][None, :]
        return t - s2

    m = None
    gi = None
    for g0 in range(0, nchunk, 4):
        d0, d1 = chunk_d(g0), chunk_d(g0 + 1)
        d2, d3 = chunk_d(g0 + 2), chunk_d(g0 + 3)
        ta = d1 < d0
        ma = jnp.minimum(d0, d1)
        oa = jnp.where(ta, 1, 0)
        tb = d3 < d2
        mb = jnp.minimum(d2, d3)
        ob = jnp.where(tb, 3, 2)
        tc = mb < ma
        mg = jnp.minimum(ma, mb)
        og = jnp.where(tc, ob, oa)
        if m is None:
            m, gi = mg, og
        else:
            ts = mg < m
            m = jnp.minimum(m, mg)
            gi = jnp.where(ts, og + g0, gi)

    mstar = jnp.min(m, axis=1, keepdims=True)
    j = gi * 128 + lax.broadcasted_iota(jnp.int32, m.shape, 1)
    idx_ref[...] = jnp.min(jnp.where(m == mstar, j, N_EMB), axis=1)

    @pl.when(pl.program_id(0) == 0)
    def _init():
        acc_ref[0] = 0.0

    acc_ref[0] += jnp.sum(mstar)

    @pl.when(pl.program_id(0) == pl.num_programs(0) - 1)
    def _fin():
        loss_ref[...] = jnp.full((1, 1), acc_ref[0] * (1.25 / (N_TOK * DIM)),
                                 dtype=jnp.float32)


def _tc_argmin(inputs_t, emb_t, x2, e2):
    blk_per_batch = 1024 // TOK_BLK
    return pl.pallas_call(
        _argmin_body,
        grid=(N_TOK // TOK_BLK,),
        in_specs=[
            pl.BlockSpec((1, DIM, TOK_BLK),
                         lambda i: (i // blk_per_batch, 0, i % blk_per_batch)),
            pl.BlockSpec((DIM, N_EMB), lambda i: (0, 0)),
            pl.BlockSpec((TOK_BLK, 1), lambda i: (i, 0)),
            pl.BlockSpec((1, N_EMB), lambda i: (0, 0)),
        ],
        out_specs=[
            pl.BlockSpec((TOK_BLK,), lambda i: (i,)),
            pl.BlockSpec((1, 1), lambda i: (0, 0)),
        ],
        out_shape=[
            jax.ShapeDtypeStruct((N_TOK,), jnp.int32),
            jax.ShapeDtypeStruct((1, 1), jnp.float32),
        ],
        scratch_shapes=[pltpu.SMEM((1,), jnp.float32),
                        pltpu.VMEM((DIM, N_EMB), jnp.float32)],
    )(inputs_t, emb_t, x2, e2)


_SC_CACHE = {}


def _make_sc_gather_st():
    if "k" in _SC_CACHE:
        return _SC_CACHE["k"]
    nc, ns, nl = 2, 16, 16
    nw = nc * ns
    b_per_w = N_TOK // nw
    w_per_batch = 1024 // b_per_w
    mesh = plsc.VectorSubcoreMesh(core_axis_name="c", subcore_axis_name="s")

    @functools.partial(
        pl.kernel, mesh=mesh,
        out_type=jax.ShapeDtypeStruct((N_TOK // 1024, 1024, DIM), jnp.float32),
        compiler_params=pltpu.CompilerParams(use_tc_tiling_on_sc=False),
        scratch_types=[
            pltpu.VMEM((b_per_w,), jnp.int32),
            pltpu.VMEM((b_per_w, DIM), jnp.float32),
            pltpu.SemaphoreType.DMA,
        ],
    )
    def sc_gather_st(table_hbm, idx_hbm, out_hbm, idx_v, rows_v, sem):
        wid = lax.axis_index("s") * nc + lax.axis_index("c")
        b = wid // w_per_batch
        off = (wid % w_per_batch) * b_per_w
        pltpu.sync_copy(idx_hbm.at[pl.ds(wid * b_per_w, b_per_w)], idx_v)
        pltpu.async_copy(table_hbm.at[idx_v], rows_v, sem).wait()
        pltpu.sync_copy(rows_v, out_hbm.at[b, pl.ds(off, b_per_w)])

    _SC_CACHE["k"] = sc_gather_st
    return sc_gather_st


def kernel(inputs, embeddings):
    x2 = jnp.sum(inputs ** 2, axis=-1).reshape(N_TOK, 1)
    e2 = jnp.sum(embeddings ** 2, axis=1)[None, :]
    idx, loss2d = _tc_argmin(inputs.transpose(0, 2, 1), embeddings.T, x2, e2)
    quantized_st = _make_sc_gather_st()(embeddings, idx)
    return quantized_st, loss2d.reshape(())

# --- scband reference (transcript-rebuilt; emitter-appended) ---
"""Pipeline reference for scband-vector-quantizer-16939351016121 (READ-ONLY COPY).

The authoritative reference and input builder live on the scoring server;
editing this copy changes nothing except your own understanding.
"""

import jax, jax.numpy as jnp
import numpy as np

NUM_EMBEDDINGS = 8192
EMBEDDING_DIM = 32
COMMITMENT_COST = 0.25


def setup_inputs(seed: int = 0) -> dict:
    key = jax.random.key(seed)
    k1, k2 = jax.random.split(key)
    inputs = jax.random.normal(k1, (4, 1024, EMBEDDING_DIM), dtype=jnp.float32)
    embeddings = jax.random.uniform(
        k2, (NUM_EMBEDDINGS, EMBEDDING_DIM), dtype=jnp.float32,
        minval=-1.0 / NUM_EMBEDDINGS, maxval=1.0 / NUM_EMBEDDINGS)
    return {"inputs": inputs, "embeddings": embeddings}


def reference(inputs, embeddings):
    # Flatten to (N, d)
    flat_input = inputs.reshape(-1, EMBEDDING_DIM)
    # Squared L2 distances to every codebook entry: (N, K)
    distances = (
        jnp.sum(flat_input ** 2, axis=1, keepdims=True)
        + jnp.sum(embeddings ** 2, axis=1)
        - 2.0 * flat_input @ embeddings.T
    )
    encoding_indices = jnp.argmin(distances, axis=1)
    # one-hot @ codebook == row gather (same math as torch scatter+matmul)
    quantized = jnp.take(embeddings, encoding_indices, axis=0).reshape(inputs.shape)
    e_latent_loss = jnp.mean((jax.lax.stop_gradient(quantized) - inputs) ** 2)
    q_latent_loss = jnp.mean((quantized - jax.lax.stop_gradient(inputs)) ** 2)
    commitment_loss = COMMITMENT_COST * e_latent_loss
    # straight-through estimator
    quantized_st = inputs + jax.lax.stop_gradient(quantized - inputs)
    return quantized_st, commitment_loss + q_latent_loss

if __name__ == "__main__":
    import jax
    _d = setup_inputs()
    print(jax.jit(kernel)(*tuple(_d.values())))

</pallas_src>

<mosaic_0001>
#map = affine_map<(d0, d1) -> (0, 0)>
#map1 = affine_map<(d0, d1) -> (0)>
#map2 = affine_map<(d0, d1) -> (0, 0, 0)>
module attributes {stable_mosaic.version = 14 : i64} {
  func.func @sc_gather_st(%arg0: i32, %arg1: i32, %arg2: memref<8192x32xf32, #tpu.memory_space<hbm>>, %arg3: memref<4096xi32, #tpu.memory_space<hbm>>, %arg4: memref<4x1024x32xf32, #tpu.memory_space<hbm>>, %arg5: memref<128xi32, #tpu.memory_space<vmem>>, %arg6: memref<128x32xf32, #tpu.memory_space<vmem>>, %arg7: memref<!tpu.dma_semaphore, #tpu.memory_space<semaphore_mem>>) attributes {dimension_semantics = [#tpu.dimension_semantics<core_parallel>, #tpu.dimension_semantics<subcore_parallel>], iteration_bounds = array<i64: 2, 16>, scalar_prefetch = 0 : i64, scratch_operands = 3 : i64, tpu.core_type = #tpu.core_type<sc_vector_subcore>, window_params = [{transform_indices = #map}, {transform_indices = #map1}, {transform_indices = #map2}]} {
    %mul3A = arith.constant 2 : i32
    %mul3A_0 = arith.muli %arg1, %mul3A : i32
    %add3A = arith.addi %mul3A_0, %arg0 : i32
    %jit3A = arith.constant 8 : i32
    %div3A = arith.divsi %add3A, %jit3A : i32
    %sign3A = arith.constant 0 : i32
    %sign3A_1 = arith.cmpi sgt, %add3A, %sign3A : i32
    %sign3A_2 = arith.extui %sign3A_1 : i1 to i32
    %sign3A_3 = arith.constant 0 : i32
    %sign3A_4 = arith.cmpi slt, %add3A, %sign3A_3 : i32
    %sign3A_5 = arith.extui %sign3A_4 : i1 to i32
    %sign3A_6 = arith.subi %sign3A_2, %sign3A_5 : i32
    %sign3A_7 = arith.constant 0 : i32
    %sign3A_8 = arith.cmpi sgt, %jit3A, %sign3A_7 : i32
    %sign3A_9 = arith.extui %sign3A_8 : i1 to i32
    %sign3A_10 = arith.constant 0 : i32
    %sign3A_11 = arith.cmpi slt, %jit3A, %sign3A_10 : i32
    %sign3A_12 = arith.extui %sign3A_11 : i1 to i32
    %sign3A_13 = arith.subi %sign3A_9, %sign3A_12 : i32
    %ne3A = arith.cmpi ne, %sign3A_6, %sign3A_13 : i32
    %rem3A = arith.remsi %add3A, %jit3A : i32
    %ne3A_14 = arith.constant 0 : i32
    %ne3A_15 = arith.cmpi ne, %rem3A, %ne3A_14 : i32
    %and3A = arith.andi %ne3A, %ne3A_15 : i1
    %sub3A = arith.constant 1 : i32
    %sub3A_16 = arith.subi %div3A, %sub3A : i32
    %select_n3A = arith.select %and3A, %sub3A_16, %div3A : i32
    %jit3A_17 = arith.constant 8 : i32
    %eq3A = arith.constant 0 : i32
    %eq3A_18 = arith.cmpi eq, %jit3A_17, %eq3A : i32
    %jit3A_19 = arith.constant 1 : i32
    %select_n3A_20 = arith.select %eq3A_18, %jit3A_19, %jit3A_17 : i32
    %rem3A_21 = arith.remsi %add3A, %select_n3A_20 : i32
    %ne3A_22 = arith.constant 0 : i32
    %ne3A_23 = arith.cmpi ne, %rem3A_21, %ne3A_22 : i32
    %lt3A = arith.constant 0 : i32
    %lt3A_24 = arith.cmpi slt, %rem3A_21, %lt3A : i32
    %lt3A_25 = arith.constant 0 : i32
    %lt3A_26 = arith.cmpi slt, %select_n3A_20, %lt3A_25 : i32
    %ne3A_27 = arith.xori %lt3A_24, %lt3A_26 : i1
    %and3A_28 = arith.andi %ne3A_27, %ne3A_23 : i1
    %add3A_29 = arith.addi %rem3A_21, %select_n3A_20 : i32
    %select_n3A_30 = arith.select %and3A_28, %add3A_29, %rem3A_21 : i32
    %mul3A_31 = arith.constant 128 : i32
    %mul3A_32 = arith.muli %select_n3A_30, %mul3A_31 : i32
    %mul3A_33 = arith.constant 128 : i32
    %mul3A_34 = arith.muli %add3A, %mul3A_33 : i32
    "tpu.region"() ({
      %run_scoped3A = tpu.sem_alloc : memref<!tpu.dma_semaphore, #tpu.memory_space<semaphore_mem>>
      %dma_start3A_39 = tpu.memref_slice %arg3[%mul3A_34] : memref<4096xi32, #tpu.memory_space<hbm>> -> memref<128xi32, #tpu.memory_space<hbm>>
      %dma_start3A_40 = tpu.memref_slice %arg3[%mul3A_34] : memref<4096xi32, #tpu.memory_space<hbm>> -> memref<128xi32, #tpu.memory_space<hbm>>
      tpu.enqueue_dma source(%dma_start3A_40 : memref<128xi32, #tpu.memory_space<hbm>>) target(%arg5 : memref<128xi32, #tpu.memory_space<vmem>>) target_semaphore(%run_scoped3A : memref<!tpu.dma_semaphore, #tpu.memory_space<semaphore_mem>>)
      %dma_wait3A_41 = tpu.memref_slice %arg3[%mul3A_34] : memref<4096xi32, #tpu.memory_space<hbm>> -> memref<128xi32, #tpu.memory_space<hbm>>
      %dma_wait3A_42 = tpu.memref_slice %arg3[%mul3A_34] : memref<4096xi32, #tpu.memory_space<hbm>> -> memref<128xi32, #tpu.memory_space<hbm>>
      tpu.wait_dma2 semaphore(%run_scoped3A : memref<!tpu.dma_semaphore, #tpu.memory_space<semaphore_mem>>) src(%dma_wait3A_42 : memref<128xi32, #tpu.memory_space<hbm>>) dst(%arg5 : memref<128xi32, #tpu.memory_space<vmem>>)
      tpu.yield
    }) : () -> ()
    %dma_start3A = arith.constant 0 : i32
    %dma_start3A_35 = arith.constant 0 : i32
    %dma_start3A_36 = tpu.memref_slice %arg2[%dma_start3A, %dma_start3A_35] : memref<8192x32xf32, #tpu.memory_space<hbm>> -> memref<8192x32xf32, #tpu.memory_space<hbm>>
    tpu.enqueue_indirect_dma source(%dma_start3A_36 : memref<8192x32xf32, #tpu.memory_space<hbm>>) target(%arg6 : memref<128x32xf32, #tpu.memory_space<vmem>>) offsets(%arg5 : memref<128xi32, #tpu.memory_space<vmem>>) semaphore(%arg7 : memref<!tpu.dma_semaphore, #tpu.memory_space<semaphore_mem>>)
    %dma_wait3A = arith.constant 0 : i32
    %dma_wait3A_37 = arith.constant 0 : i32
    %dma_wait3A_38 = tpu.memref_slice %arg2[%dma_wait3A, %dma_wait3A_37] : memref<8192x32xf32, #tpu.memory_space<hbm>> -> memref<8192x32xf32, #tpu.memory_space<hbm>>
    tpu.wait_indirect_dma semaphore(%arg7 : memref<!tpu.dma_semaphore, #tpu.memory_space<semaphore_mem>>) src(%dma_wait3A_38 : memref<8192x32xf32, #tpu.memory_space<hbm>>) dst(%arg6 : memref<128x32xf32, #tpu.memory_space<vmem>>)
    "tpu.region"() ({
      %run_scoped3A = tpu.sem_alloc : memref<!tpu.dma_semaphore, #tpu.memory_space<semaphore_mem>>
      %dma_start3A_39 = arith.constant 0 : i32
      %dma_start3A_40 = tpu.memref_slice %arg4[%select_n3A, %mul3A_32, %dma_start3A_39] : memref<4x1024x32xf32, #tpu.memory_space<hbm>> -> memref<1x128x32xf32, #tpu.memory_space<hbm>>
      %dma_start3A_41 = tpu.memref_squeeze %dma_start3A_40 : memref<1x128x32xf32, #tpu.memory_space<hbm>> -> memref<128x32xf32, #tpu.memory_space<hbm>>
      %dma_start3A_42 = arith.constant 0 : i32
      %dma_start3A_43 = tpu.memref_slice %arg4[%select_n3A, %mul3A_32, %dma_start3A_42] : memref<4x1024x32xf32, #tpu.memory_space<hbm>> -> memref<1x128x32xf32, #tpu.memory_space<hbm>>
      %dma_start3A_44 = tpu.memref_squeeze %dma_start3A_43 : memref<1x128x32xf32, #tpu.memory_space<hbm>> -> memref<128x32xf32, #tpu.memory_space<hbm>>
      tpu.enqueue_dma source(%arg6 : memref<128x32xf32, #tpu.memory_space<vmem>>) target(%dma_start3A_44 : memref<128x32xf32, #tpu.memory_space<hbm>>) target_semaphore(%run_scoped3A : memref<!tpu.dma_semaphore, #tpu.memory_space<semaphore_mem>>)
      %dma_wait3A_45 = arith.constant 0 : i32
      %dma_wait3A_46 = tpu.memref_slice %arg4[%select_n3A, %mul3A_32, %dma_wait3A_45] : memref<4x1024x32xf32, #tpu.memory_space<hbm>> -> memref<1x128x32xf32, #tpu.memory_space<hbm>>
      %dma_wait3A_47 = tpu.memref_squeeze %dma_wait3A_46 : memref<1x128x32xf32, #tpu.memory_space<hbm>> -> memref<128x32xf32, #tpu.memory_space<hbm>>
      %dma_wait3A_48 = arith.constant 0 : i32
      %dma_wait3A_49 = tpu.memref_slice %arg4[%select_n3A, %mul3A_32, %dma_wait3A_48] : memref<4x1024x32xf32, #tpu.memory_space<hbm>> -> memref<1x128x32xf32, #tpu.memory_space<hbm>>
      %dma_wait3A_50 = tpu.memref_squeeze %dma_wait3A_49 : memref<1x128x32xf32, #tpu.memory_space<hbm>> -> memref<128x32xf32, #tpu.memory_space<hbm>>
      tpu.wait_dma2 semaphore(%run_scoped3A : memref<!tpu.dma_semaphore, #tpu.memory_space<semaphore_mem>>) src(%arg6 : memref<128x32xf32, #tpu.memory_space<vmem>>) dst(%dma_wait3A_50 : memref<128x32xf32, #tpu.memory_space<hbm>>)
      tpu.yield
    }) : () -> ()
    return
  }
}

module attributes {stable_mosaic.version = 14 : i64} {
  func.func @_argmin_body(%arg0: i32, %arg1: memref<1x32x512xf32, #tpu.memory_space<vmem>>, %arg2: memref<32x8192xf32, #tpu.memory_space<vmem>>, %arg3: memref<512x1xf32, #tpu.memory_space<vmem>>, %arg4: memref<1x8192xf32, #tpu.memory_space<vmem>>, %arg5: memref<512xi32, #tpu.memory_space<vmem>>, %arg6: memref<1x1xf32, #tpu.memory_space<vmem>>, %arg7: memref<1xf32, #tpu.memory_space<smem>>, %arg8: memref<32x8192xf32, #tpu.memory_space<vmem>>) attributes {dimension_semantics = [#tpu.dimension_semantics<arbitrary>], iteration_bounds = array<i64: 8>, scalar_prefetch = 0 : i64, scratch_operands = 2 : i64, tpu.core_type = #tpu.core_type<tc>, window_params = [{transform_indices = @transform_0, window_bounds = array<i64: 1, 32, 512>}, {pipeline_mode = #tpu.pipeline_mode<synchronous>, transform_indices = @transform_1, window_bounds = array<i64: 32, 8192>}, {transform_indices = @transform_2, window_bounds = array<i64: 512, 1>}, {pipeline_mode = #tpu.pipeline_mode<synchronous>, transform_indices = @transform_3, window_bounds = array<i64: 1, 8192>}, {transform_indices = @transform_4, window_bounds = array<i64: 512>}, {pipeline_mode = #tpu.pipeline_mode<synchronous>, transform_indices = @transform_5, window_bounds = array<i64: 1, 1>}]} {
    %eq3A = arith.constant 0 : i32
    %eq3A_0 = arith.cmpi eq, %arg0, %eq3A : i32
    %convert_element_type3A = arith.extui %eq3A_0 : i1 to i32
    %cond3A = arith.constant 0 : i32
    %cond3A_1 = arith.cmpi ne, %convert_element_type3A, %cond3A : i32
    scf.if %cond3A_1 {
      %get3A_1291 = arith.constant 0 : index
      %get3A_1292 = arith.constant 0 : index
      %get3A_1293 = vector.load %arg2[%get3A_1291, %get3A_1292] : memref<32x8192xf32, #tpu.memory_space<vmem>>, vector<32x8192xf32>
      %mul3A_1294 = arith.constant 2.000000e+00 : f32
      %mul3A_1295 = vector.broadcast %mul3A_1294 : f32 to vector<32x8192xf32>
      %mul3A_1296 = arith.mulf %mul3A_1295, %get3A_1293 : vector<32x8192xf32>
      %swap3A_1297 = arith.constant 0 : index
      %swap3A_1298 = arith.constant 0 : index
      %swap3A_1299 = vector.load %arg8[%swap3A_1297, %swap3A_1298] : memref<32x8192xf32, #tpu.memory_space<vmem>>, vector<32x8192xf32>
      tpu.vector_store %arg8[%swap3A_1297, %swap3A_1298], %mul3A_1296 {strides = array<i32>} : memref<32x8192xf32, #tpu.memory_space<vmem>>, vector<32x8192xf32>,
    } else {
    }
    %get3A = arith.constant 0 : index
    %get3A_2 = arith.constant 0 : index
    %get3A_3 = arith.constant 0 : index
    %get3A_4 = vector.load %arg1[%get3A, %get3A_2, %get3A_3] : memref<1x32x512xf32, #tpu.memory_space<vmem>>, vector<1x32x512xf32>
    %get3A_5 = vector.shape_cast %get3A_4 : vector<1x32x512xf32> to vector<32x512xf32>
    %get3A_6 = arith.constant 0 : index
    %get3A_7 = arith.constant 0 : index
    %get3A_8 = vector.load %arg3[%get3A_6, %get3A_7] : memref<512x1xf32, #tpu.memory_space<vmem>>, vector<512x1xf32>
    %get3A_9 = arith.constant 0 : index
    %get3A_10 = arith.constant 0 : index
    %get3A_11 = vector.load %arg8[%get3A_9, %get3A_10] : memref<32x8192xf32, #tpu.memory_space<vmem>>, vector<32x128xf32>
    %dot_general3A = arith.constant dense<0.000000e+00> : vector<512x128xf32>
    %dot_general3A_12 = tpu.matmul %get3A_5, %get3A_11, %dot_general3A {dimension_numbers = #tpu.dot_dimension_numbers<[0], [0], [1], [1], [0, 1, 1, 1], [], []>, transpose_lhs_hint = false} : vector<32x512xf32>, vector<32x128xf32>, vector<512x128xf32> -> vector<512x128xf32>
    %get3A_13 = arith.constant 0 : index
    %get3A_14 = arith.constant 0 : index
    %get3A_15 = vector.load %arg4[%get3A_13, %get3A_14] : memref<1x8192xf32, #tpu.memory_space<vmem>>, vector<1x128xf32>
    %get3A_16 = vector.shape_cast %get3A_15 : vector<1x128xf32> to vector<128xf32>
    %broadcast_in_dim3A = vector.shape_cast %get3A_16 : vector<128xf32> to vector<1x128xf32>
    %add3A = vector.broadcast %get3A_8 : vector<512x1xf32> to vector<512x128xf32>
    %add3A_17 = vector.broadcast %broadcast_in_dim3A : vector<1x128xf32> to vector<512x128xf32>
    %add3A_18 = arith.addf %add3A, %add3A_17 : vector<512x128xf32>
    %sub3A = arith.subf %add3A_18, %dot_general3A_12 : vector<512x128xf32>
    %get3A_19 = arith.constant 0 : index
    %get3A_20 = arith.constant 128 : index
    %get3A_21 = vector.load %arg8[%get3A_19, %get3A_20] : memref<32x8192xf32, #tpu.memory_space<vmem>>, vector<32x128xf32>
    %dot_general3A_22 = arith.constant dense<0.000000e+00> : vector<512x128xf32>
    %dot_general3A_23 = tpu.matmul %get3A_5, %get3A_21, %dot_general3A_22 {dimension_numbers = #tpu.dot_dimension_numbers<[0], [0], [1], [1], [0, 1, 1, 1], [], []>, transpose_lhs_hint = false} : vector<32x512xf32>, vector<32x128xf32>, vector<512x128xf32> -> vector<512x128xf32>
    %get3A_24 = arith.constant 0 : index
    %get3A_25 = arith.constant 128 : index
    %get3A_26 = vector.load %arg4[%get3A_24, %get3A_25] : memref<1x8192xf32, #tpu.memory_space<vmem>>, vector<1x128xf32>
    %get3A_27 = vector.shape_cast %get3A_26 : vector<1x128xf32> to vector<128xf32>
    %broadcast_in_dim3A_28 = vector.shape_cast %get3A_27 : vector<128xf32> to vector<1x128xf32>
    %add3A_29 = vector.broadcast %get3A_8 : vector<512x1xf32> to vector<512x128xf32>
    %add3A_30 = vector.broadcast %broadcast_in_dim3A_28 : vector<1x128xf32> to vector<512x128xf32>
    %add3A_31 = arith.addf %add3A_29, %add3A_30 : vector<512x128xf32>
    %sub3A_32 = arith.subf %add3A_31, %dot_general3A_23 : vector<512x128xf32>
    %get3A_33 = arith.constant 0 : index
    %get3A_34 = arith.constant 256 : index
    %get3A_35 = vector.load %arg8[%get3A_33, %get3A_34] : memref<32x8192xf32, #tpu.memory_space<vmem>>, vector<32x128xf32>
    %dot_general3A_36 = arith.constant dense<0.000000e+00> : vector<512x128xf32>
    %dot_general3A_37 = tpu.matmul %get3A_5, %get3A_35, %dot_general3A_36 {dimension_numbers = #tpu.dot_dimension_numbers<[0], [0], [1], [1], [0, 1, 1, 1], [], []>, transpose_lhs_hint = false} : vector<32x512xf32>, vector<32x128xf32>, vector<512x128xf32> -> vector<512x128xf32>
    %get3A_38 = arith.constant 0 : index
    %get3A_39 = arith.constant 256 : index
    %get3A_40 = vector.load %arg4[%get3A_38, %get3A_39] : memref<1x8192xf32, #tpu.memory_space<vmem>>, vector<1x128xf32>
    %get3A_41 = vector.shape_cast %get3A_40 : vector<1x128xf32> to vector<128xf32>
    %broadcast_in_dim3A_42 = vector.shape_cast %get3A_41 : vector<128xf32> to vector<1x128xf32>
    %add3A_43 = vector.broadcast %get3A_8 : vector<512x1xf32> to vector<512x128xf32>
    %add3A_44 = vector.broadcast %broadcast_in_dim3A_42 : vector<1x128xf32> to vector<512x128xf32>
    %add3A_45 = arith.addf %add3A_43, %add3A_44 : vector<512x128xf32>
    %sub3A_46 = arith.subf %add3A_45, %dot_general3A_37 : vector<512x128xf32>
    %get3A_47 = arith.constant 0 : index
    %get3A_48 = arith.constant 384 : index
    %get3A_49 = vector.load %arg8[%get3A_47, %get3A_48] : memref<32x8192xf32, #tpu.memory_space<vmem>>, vector<32x128xf32>
    %dot_general3A_50 = arith.constant dense<0.000000e+00> : vector<512x128xf32>
    %dot_general3A_51 = tpu.matmul %get3A_5, %get3A_49, %dot_general3A_50 {dimension_numbers = #tpu.dot_dimension_numbers<[0], [0], [1], [1], [0, 1, 1, 1], [], []>, transpose_lhs_hint = false} : vector<32x512xf32>, vector<32x128xf32>, vector<512x128xf32> -> vector<512x128xf32>
    %get3A_52 = arith.constant 0 : index
    %get3A_53 = arith.constant 384 : index
    %get3A_54 = vector.load %arg4[%get3A_52, %get3A_53] : memref<1x8192xf32, #tpu.memory_space<vmem>>, vector<1x128xf32>
    %get3A_55 = vector.shape_cast %get3A_54 : vector<1x128xf32> to vector<128xf32>
    %broadcast_in_dim3A_56 = vector.shape_cast %get3A_55 : vector<128xf32> to vector<1x128xf32>
    %add3A_57 = vector.broadcast %get3A_8 : vector<512x1xf32> to vector<512x128xf32>
    %add3A_58 = vector.broadcast %broadcast_in_dim3A_56 : vector<1x128xf32> to vector<512x128xf32>
    %add3A_59 = arith.addf %add3A_57, %add3A_58 : vector<512x128xf32>
    %sub3A_60 = arith.subf %add3A_59, %dot_general3A_51 : vector<512x128xf32>
    %lt3A = arith.cmpf olt, %sub3A_32, %sub3A : vector<512x128xf32>
    %min3A = arith.minimumf %sub3A, %sub3A_32 : vector<512x128xf32>
    %jit3A = arith.constant 1 : i32
    %jit3A_61 = arith.constant 0 : i32
    %broadcast_in_dim3A_62 = vector.broadcast %jit3A : i32 to vector<512x128xi32>
    %broadcast_in_dim3A_63 = vector.broadcast %jit3A_61 : i32 to vector<512x128xi32>
    %select_n3A = arith.select %lt3A, %broadcast_in_dim3A_62, %broadcast_in_dim3A_63 : vector<512x128xi1>, vector<512x128xi32>
    %lt3A_64 = arith.cmpf olt, %sub3A_60, %sub3A_46 : vector<512x128xf32>
    %min3A_65 = arith.minimumf %sub3A_46, %sub3A_60 : vector<512x128xf32>
    %jit3A_66 = arith.constant 3 : i32
    %jit3A_67 = arith.constant 2 : i32
    %broadcast_in_dim3A_68 = vector.broadcast %jit3A_66 : i32 to vector<512x128xi32>
    %broadcast_in_dim3A_69 = vector.broadcast %jit3A_67 : i32 to vector<512x128xi32>
    %select_n3A_70 = arith.select %lt3A_64, %broadcast_in_dim3A_68, %broadcast_in_dim3A_69 : vector<512x128xi1>, vector<512x128xi32>
    %lt3A_71 = arith.cmpf olt, %min3A_65, %min3A : vector<512x128xf32>
    %min3A_72 = arith.minimumf %min3A, %min3A_65 : vector<512x128xf32>
    %select_n3A_73 = arith.select %lt3A_71, %select_n3A_70, %select_n3A : vector<512x128xi1>, vector<512x128xi32>
    %get3A_74 = arith.constant 0 : index
    %get3A_75 = arith.constant 512 : index
    %get3A_76 = vector.load %arg8[%get3A_74, %get3A_75] : memref<32x8192xf32, #tpu.memory_space<vmem>>, vector<32x128xf32>
    %dot_general3A_77 = arith.constant dense<0.000000e+00> : vector<512x128xf32>
    %dot_general3A_78 = tpu.matmul %get3A_5, %get3A_76, %dot_general3A_77 {dimension_numbers = #tpu.dot_dimension_numbers<[0], [0], [1], [1], [0, 1, 1, 1], [], []>, transpose_lhs_hint = false} : vector<32x512xf32>, vector<32x128xf32>, vector<512x128xf32> -> vector<512x128xf32>
    %get3A_79 = arith.constant 0 : index
    %get3A_80 = arith.constant 512 : index
    %get3A_81 = vector.load %arg4[%get3A_79, %get3A_80] : memref<1x8192xf32, #tpu.memory_space<vmem>>, vector<1x128xf32>
    %get3A_82 = vector.shape_cast %get3A_81 : vector<1x128xf32> to vector<128xf32>
    %broadcast_in_dim3A_83 = vector.shape_cast %get3A_82 : vector<128xf32> to vector<1x128xf32>
    %add3A_84 = vector.broadcast %get3A_8 : vector<512x1xf32> to vector<512x128xf32>
    %add3A_85 = vector.broadcast %broadcast_in_dim3A_83 : vector<1x128xf32> to vector<512x128xf32>
    %add3A_86 = arith.addf %add3A_84, %add3A_85 : vector<512x128xf32>
    %sub3A_87 = arith.subf %add3A_86, %dot_general3A_78 : vector<512x128xf32>
    %get3A_88 = arith.constant 0 : index
    %get3A_89 = arith.constant 640 : index
    %get3A_90 = vector.load %arg8[%get3A_88, %get3A_89] : memref<32x8192xf32, #tpu.memory_space<vmem>>, vector<32x128xf32>
    %dot_general3A_91 = arith.constant dense<0.000000e+00> : vector<512x128xf32>
    %dot_general3A_92 = tpu.matmul %get3A_5, %get3A_90, %dot_general3A_91 {dimension_numbers = #tpu.dot_dimension_numbers<[0], [0], [1], [1], [0, 1, 1, 1], [], []>, transpose_lhs_hint = false} : vector<32x512xf32>, vector<32x128xf32>, vector<512x128xf32> -> vector<512x128xf32>
    %get3A_93 = arith.constant 0 : index
    %get3A_94 = arith.constant 640 : index
    %get3A_95 = vector.load %arg4[%get3A_93, %get3A_94] : memref<1x8192xf32, #tpu.memory_space<vmem>>, vector<1x128xf32>
    %get3A_96 = vector.shape_cast %get3A_95 : vector<1x128xf32> to vector<128xf32>
    %broadcast_in_dim3A_97 = vector.shape_cast %get3A_96 : vector<128xf32> to vector<1x128xf32>
    %add3A_98 = vector.broadcast %get3A_8 : vector<512x1xf32> to vector<512x128xf32>
    %add3A_99 = vector.broadcast %broadcast_in_dim3A_97 : vector<1x128xf32> to vector<512x128xf32>
    %add3A_100 = arith.addf %add3A_98, %add3A_99 : vector<512x128xf32>
    %sub3A_101 = arith.subf %add3A_100, %dot_general3A_92 : vector<512x128xf32>
    %get3A_102 = arith.constant 0 : index
    %get3A_103 = arith.constant 768 : index
    %get3A_104 = vector.load %arg8[%get3A_102, %get3A_103] : memref<32x8192xf32, #tpu.memory_space<vmem>>, vector<32x128xf32>
    %dot_general3A_105 = arith.constant dense<0.000000e+00> : vector<512x128xf32>
    %dot_general3A_106 = tpu.matmul %get3A_5, %get3A_104, %dot_general3A_105 {dimension_numbers = #tpu.dot_dimension_numbers<[0], [0], [1], [1], [0, 1, 1, 1], [], []>, transpose_lhs_hint = false} : vector<32x512xf32>, vector<32x128xf32>, vector<512x128xf32> -> vector<512x128xf32>
    %get3A_107 = arith.constant 0 : index
    %get3A_108 = arith.constant 768 : index
    %get3A_109 = vector.load %arg4[%get3A_107, %get3A_108] : memref<1x8192xf32, #tpu.memory_space<vmem>>, vector<1x128xf32>
    %get3A_110 = vector.shape_cast %get3A_109 : vector<1x128xf32> to vector<128xf32>
    %broadcast_in_dim3A_111 = vector.shape_cast %get3A_110 : vector<128xf32> to vector<1x128xf32>
    %add3A_112 = vector.broadcast %get3A_8 : vector<512x1xf32> to vector<512x128xf32>
    %add3A_113 = vector.broadcast %broadcast_in_dim3A_111 : vector<1x128xf32> to vector<512x128xf32>
    %add3A_114 = arith.addf %add3A_112, %add3A_113 : vector<512x128xf32>
    %sub3A_115 = arith.subf %add3A_114, %dot_general3A_106 : vector<512x128xf32>
    %get3A_116 = arith.constant 0 : index
    %get3A_117 = arith.constant 896 : index
    %get3A_118 = vector.load %arg8[%get3A_116, %get3A_117] : memref<32x8192xf32, #tpu.memory_space<vmem>>, vector<32x128xf32>
    %dot_general3A_119 = arith.constant dense<0.000000e+00> : vector<512x128xf32>
    %dot_general3A_120 = tpu.matmul %get3A_5, %get3A_118, %dot_general3A_119 {dimension_numbers = #tpu.dot_dimension_numbers<[0], [0], [1], [1], [0, 1, 1, 1], [], []>, transpose_lhs_hint = false} : vector<32x512xf32>, vector<32x128xf32>, vector<512x128xf32> -> vector<512x128xf32>
    %get3A_121 = arith.constant 0 : index
    %get3A_122 = arith.constant 896 : index
    %get3A_123 = vector.load %arg4[%get3A_121, %get3A_122] : memref<1x8192xf32, #tpu.memory_space<vmem>>, vector<1x128xf32>
    %get3A_124 = vector.shape_cast %get3A_123 : vector<1x128xf32> to vector<128xf32>
    %broadcast_in_dim3A_125 = vector.shape_cast %get3A_124 : vector<128xf32> to vector<1x128xf32>
    %add3A_126 = vector.broadcast %get3A_8 : vector<512x1xf32> to vector<512x128xf32>
    %add3A_127 = vector.broadcast %broadcast_in_dim3A_125 : vector<1x128xf32> to vector<512x128xf32>
    %add3A_128 = arith.addf %add3A_126, %add3A_127 : vector<512x128xf32>
    %sub3A_129 = arith.subf %add3A_128, %dot_general3A_120 : vector<512x128xf32>
    %lt3A_130 = arith.cmpf olt, %sub3A_101, %sub3A_87 : vector<512x128xf32>
    %min3A_131 = arith.minimumf %sub3A_87, %sub3A_101 : vector<512x128xf32>
    %jit3A_132 = arith.constant 1 : i32
    %jit3A_133 = arith.constant 0 : i32
    %broadcast_in_dim3A_134 = vector.broadcast %jit3A_132 : i32 to vector<512x128xi32>
    %broadcast_in_dim3A_135 = vector.broadcast %jit3A_133 : i32 to vector<512x128xi32>
    %select_n3A_136 = arith.select %lt3A_130, %broadcast_in_dim3A_134, %broadcast_in_dim3A_135 : vector<512x128xi1>, vector<512x128xi32>
    %lt3A_137 = arith.cmpf olt, %sub3A_129, %sub3A_115 : vector<512x128xf32>
    %min3A_138 = arith.minimumf %sub3A_115, %sub3A_129 : vector<512x128xf32>
    %jit3A_139 = arith.constant 3 : i32
    %jit3A_140 = arith.constant 2 : i32
    %broadcast_in_dim3A_141 = vector.broadcast %jit3A_139 : i32 to vector<512x128xi32>
    %broadcast_in_dim3A_142 = vector.broadcast %jit3A_140 : i32 to vector<512x128xi32>
    %select_n3A_143 = arith.select %lt3A_137, %broadcast_in_dim3A_141, %broadcast_in_dim3A_142 : vector<512x128xi1>, vector<512x128xi32>
    %lt3A_144 = arith.cmpf olt, %min3A_138, %min3A_131 : vector<512x128xf32>
    %min3A_145 = arith.minimumf %min3A_131, %min3A_138 : vector<512x128xf32>
    %select_n3A_146 = arith.select %lt3A_144, %select_n3A_143, %select_n3A_136 : vector<512x128xi1>, vector<512x128xi32>
    %lt3A_147 = arith.cmpf olt, %min3A_145, %min3A_72 : vector<512x128xf32>
    %min3A_148 = arith.minimumf %min3A_72, %min3A_145 : vector<512x128xf32>
    %add3A_149 = arith.constant 4 : i32
    %add3A_150 = vector.broadcast %add3A_149 : i32 to vector<512x128xi32>
    %add3A_151 = arith.addi %select_n3A_146, %add3A_150 : vector<512x128xi32>
    %select_n3A_152 = arith.select %lt3A_147, %add3A_151, %select_n3A_73 : vector<512x128xi1>, vector<512x128xi32>
    %get3A_153 = arith.constant 0 : index
    %get3A_154 = arith.constant 1024 : index
    %get3A_155 = vector.load %arg8[%get3A_153, %get3A_154] : memref<32x8192xf32, #tpu.memory_space<vmem>>, vector<32x128xf32>
    %dot_general3A_156 = arith.constant dense<0.000000e+00> : vector<512x128xf32>
    %dot_general3A_157 = tpu.matmul %get3A_5, %get3A_155, %dot_general3A_156 {dimension_numbers = #tpu.dot_dimension_numbers<[0], [0], [1], [1], [0, 1, 1, 1], [], []>, transpose_lhs_hint = false} : vector<32x512xf32>, vector<32x128xf32>, vector<512x128xf32> -> vector<512x128xf32>
    %get3A_158 = arith.constant 0 : index
    %get3A_159 = arith.constant 1024 : index
    %get3A_160 = vector.load %arg4[%get3A_158, %get3A_159] : memref<1x8192xf32, #tpu.memory_space<vmem>>, vector<1x128xf32>
    %get3A_161 = vector.shape_cast %get3A_160 : vector<1x128xf32> to vector<128xf32>
    %broadcast_in_dim3A_162 = vector.shape_cast %get3A_161 : vector<128xf32> to vector<1x128xf32>
    %add3A_163 = vector.broadcast %get3A_8 : vector<512x1xf32> to vector<512x128xf32>
    %add3A_164 = vector.broadcast %broadcast_in_dim3A_162 : vector<1x128xf32> to vector<512x128xf32>
    %add3A_165 = arith.addf %add3A_163, %add3A_164 : vector<512x128xf32>
    %sub3A_166 = arith.subf %add3A_165, %dot_general3A_157 : vector<512x128xf32>
    %get3A_167 = arith.constant 0 : index
    %get3A_168 = arith.constant 1152 : index
    %get3A_169 = vector.load %arg8[%get3A_167, %get3A_168] : memref<32x8192xf32, #tpu.memory_space<vmem>>, vector<32x128xf32>
    %dot_general3A_170 = arith.constant dense<0.000000e+00> : vector<512x128xf32>
    %dot_general3A_171 = tpu.matmul %get3A_5, %get3A_169, %dot_general3A_170 {dimension_numbers = #tpu.dot_dimension_numbers<[0], [0], [1], [1], [0, 1, 1, 1], [], []>, transpose_lhs_hint = false} : vector<32x512xf32>, vector<32x128xf32>, vector<512x128xf32> -> vector<512x128xf32>
    %get3A_172 = arith.constant 0 : index
    %get3A_173 = arith.constant 1152 : index
    %get3A_174 = vector.load %arg4[%get3A_172, %get3A_173] : memref<1x8192xf32, #tpu.memory_space<vmem>>, vector<1x128xf32>
    %get3A_175 = vector.shape_cast %get3A_174 : vector<1x128xf32> to vector<128xf32>
    %broadcast_in_dim3A_176 = vector.shape_cast %get3A_175 : vector<128xf32> to vector<1x128xf32>
    %add3A_177 = vector.broadcast %get3A_8 : vector<512x1xf32> to vector<512x128xf32>
    %add3A_178 = vector.broadcast %broadcast_in_dim3A_176 : vector<1x128xf32> to vector<512x128xf32>
    %add3A_179 = arith.addf %add3A_177, %add3A_178 : vector<512x128xf32>
    %sub3A_180 = arith.subf %add3A_179, %dot_general3A_171 : vector<512x128xf32>
    %get3A_181 = arith.constant 0 : index
    %get3A_182 = arith.constant 1280 : index
    %get3A_183 = vector.load %arg8[%get3A_181, %get3A_182] : memref<32x8192xf32, #tpu.memory_space<vmem>>, vector<32x128xf32>
    %dot_general3A_184 = arith.constant dense<0.000000e+00> : vector<512x128xf32>
    %dot_general3A_185 = tpu.matmul %get3A_5, %get3A_183, %dot_general3A_184 {dimension_numbers = #tpu.dot_dimension_numbers<[0], [0], [1], [1], [0, 1, 1, 1], [], []>, transpose_lhs_hint = false} : vector<32x512xf32>, vector<32x128xf32>, vector<512x128xf32> -> vector<512x128xf32>
    %get3A_186 = arith.constant 0 : index
    %get3A_187 = arith.constant 1280 : index
    %get3A_188 = vector.load %arg4[%get3A_186, %get3A_187] : memref<1x8192xf32, #tpu.memory_space<vmem>>, vector<1x128xf32>
    %get3A_189 = vector.shape_cast %get3A_188 : vector<1x128xf32> to vector<128xf32>
    %broadcast_in_dim3A_190 = vector.shape_cast %get3A_189 : vector<128xf32> to vector<1x128xf32>
    %add3A_191 = vector.broadcast %get3A_8 : vector<512x1xf32> to vector<512x128xf32>
    %add3A_192 = vector.broadcast %broadcast_in_dim3A_190 : vector<1x128xf32> to vector<512x128xf32>
    %add3A_193 = arith.addf %add3A_191, %add3A_192 : vector<512x128xf32>
    %sub3A_194 = arith.subf %add3A_193, %dot_general3A_185 : vector<512x128xf32>
    %get3A_195 = arith.constant 0 : index
    %get3A_196 = arith.constant 1408 : index
    %get3A_197 = vector.load %arg8[%get3A_195, %get3A_196] : memref<32x8192xf32, #tpu.memory_space<vmem>>, vector<32x128xf32>
    %dot_general3A_198 = arith.constant dense<0.000000e+00> : vector<512x128xf32>
    %dot_general3A_199 = tpu.matmul %get3A_5, %get3A_197, %dot_general3A_198 {dimension_numbers = #tpu.dot_dimension_numbers<[0], [0], [1], [1], [0, 1, 1, 1], [], []>, transpose_lhs_hint = false} : vector<32x512xf32>, vector<32x128xf32>, vector<512x128xf32> -> vector<512x128xf32>
    %get3A_200 = arith.constant 0 : index
    %get3A_201 = arith.constant 1408 : index
    %get3A_202 = vector.load %arg4[%get3A_200, %get3A_201] : memref<1x8192xf32, #tpu.memory_space<vmem>>, vector<1x128xf32>
    %get3A_203 = vector.shape_cast %get3A_202 : vector<1x128xf32> to vector<128xf32>
    %broadcast_in_dim3A_204 = vector.shape_cast %get3A_203 : vector<128xf32> to vector<1x128xf32>
    %add3A_205 = vector.broadcast %get3A_8 : vector<512x1xf32> to vector<512x128xf32>
    %add3A_206 = vector.broadcast %broadcast_in_dim3A_204 : vector<1x128xf32> to vector<512x128xf32>
    %add3A_207 = arith.addf %add3A_205, %add3A_206 : vector<512x128xf32>
    %sub3A_208 = arith.subf %add3A_207, %dot_general3A_199 : vector<512x128xf32>
    %lt3A_209 = arith.cmpf olt, %sub3A_180, %sub3A_166 : vector<512x128xf32>
    %min3A_210 = arith.minimumf %sub3A_166, %sub3A_180 : vector<512x128xf32>
    %jit3A_211 = arith.constant 1 : i32
    %jit3A_212 = arith.constant 0 : i32
    %broadcast_in_dim3A_213 = vector.broadcast %jit3A_211 : i32 to vector<512x128xi32>
    %broadcast_in_dim3A_214 = vector.broadcast %jit3A_212 : i32 to vector<512x128xi32>
    %select_n3A_215 = arith.select %lt3A_209, %broadcast_in_dim3A_213, %broadcast_in_dim3A_214 : vector<512x128xi1>, vector<512x128xi32>
    %lt3A_216 = arith.cmpf olt, %sub3A_208, %sub3A_194 : vector<512x128xf32>
    %min3A_217 = arith.minimumf %sub3A_194, %sub3A_208 : vector<512x128xf32>
    %jit3A_218 = arith.constant 3 : i32
    %jit3A_219 = arith.constant 2 : i32
    %broadcast_in_dim3A_220 = vector.broadcast %jit3A_218 : i32 to vector<512x128xi32>
    %broadcast_in_dim3A_221 = vector.broadcast %jit3A_219 : i32 to vector<512x128xi32>
    %select_n3A_222 = arith.select %lt3A_216, %broadcast_in_dim3A_220, %broadcast_in_dim3A_221 : vector<512x128xi1>, vector<512x128xi32>
    %lt3A_223 = arith.cmpf olt, %min3A_217, %min3A_210 : vector<512x128xf32>
    %min3A_224 = arith.minimumf %min3A_210, %min3A_217 : vector<512x128xf32>
    %select_n3A_225 = arith.select %lt3A_223, %select_n3A_222, %select_n3A_215 : vector<512x128xi1>, vector<512x128xi32>
    %lt3A_226 = arith.cmpf olt, %min3A_224, %min3A_148 : vector<512x128xf32>
    %min3A_227 = arith.minimumf %min3A_148, %min3A_224 : vector<512x128xf32>
    %add3A_228 = arith.constant 8 : i32
    %add3A_229 = vector.broadcast %add3A_228 : i32 to vector<512x128xi32>
    %add3A_230 = arith.addi %select_n3A_225, %add3A_229 : vector<512x128xi32>
    %select_n3A_231 = arith.select %lt3A_226, %add3A_230, %select_n3A_152 : vector<512x128xi1>, vector<512x128xi32>
    %get3A_232 = arith.constant 0 : index
    %get3A_233 = arith.constant 1536 : index
    %get3A_234 = vector.load %arg8[%get3A_232, %get3A_233] : memref<32x8192xf32, #tpu.memory_space<vmem>>, vector<32x128xf32>
    %dot_general3A_235 = arith.constant dense<0.000000e+00> : vector<512x128xf32>
    %dot_general3A_236 = tpu.matmul %get3A_5, %get3A_234, %dot_general3A_235 {dimension_numbers = #tpu.dot_dimension_numbers<[0], [0], [1], [1], [0, 1, 1, 1], [], []>, transpose_lhs_hint = false} : vector<32x512xf32>, vector<32x128xf32>, vector<512x128xf32> -> vector<512x128xf32>
    %get3A_237 = arith.constant 0 : index
    %get3A_238 = arith.constant 1536 : index
    %get3A_239 = vector.load %arg4[%get3A_237, %get3A_238] : memref<1x8192xf32, #tpu.memory_space<vmem>>, vector<1x128xf32>
    %get3A_240 = vector.shape_cast %get3A_239 : vector<1x128xf32> to vector<128xf32>
    %broadcast_in_dim3A_241 = vector.shape_cast %get3A_240 : vector<128xf32> to vector<1x128xf32>
    %add3A_242 = vector.broadcast %get3A_8 : vector<512x1xf32> to vector<512x128xf32>
    %add3A_243 = vector.broadcast %broadcast_in_dim3A_241 : vector<1x128xf32> to vector<512x128xf32>
    %add3A_244 = arith.addf %add3A_242, %add3A_243 : vector<512x128xf32>
    %sub3A_245 = arith.subf %add3A_244, %dot_general3A_236 : vector<512x128xf32>
    %get3A_246 = arith.constant 0 : index
    %get3A_247 = arith.constant 1664 : index
    %get3A_248 = vector.load %arg8[%get3A_246, %get3A_247] : memref<32x8192xf32, #tpu.memory_space<vmem>>, vector<32x128xf32>
    %dot_general3A_249 = arith.constant dense<0.000000e+00> : vector<512x128xf32>
    %dot_general3A_250 = tpu.matmul %get3A_5, %get3A_248, %dot_general3A_249 {dimension_numbers = #tpu.dot_dimension_numbers<[0], [0], [1], [1], [0, 1, 1, 1], [], []>, transpose_lhs_hint = false} : vector<32x512xf32>, vector<32x128xf32>, vector<512x128xf32> -> vector<512x128xf32>
    %get3A_251 = arith.constant 0 : index
    %get3A_252 = arith.constant 1664 : index
    %get3A_253 = vector.load %arg4[%get3A_251, %get3A_252] : memref<1x8192xf32, #tpu.memory_space<vmem>>, vector<1x128xf32>
    %get3A_254 = vector.shape_cast %get3A_253 : vector<1x128xf32> to vector<128xf32>
    %broadcast_in_dim3A_255 = vector.shape_cast %get3A_254 : vector<128xf32> to vector<1x128xf32>
    %add3A_256 = vector.broadcast %get3A_8 : vector<512x1xf32> to vector<512x128xf32>
    %add3A_257 = vector.broadcast %broadcast_in_dim3A_255 : vector<1x128xf32> to vector<512x128xf32>
    %add3A_258 = arith.addf %add3A_256, %add3A_257 : vector<512x128xf32>
    %sub3A_259 = arith.subf %add3A_258, %dot_general3A_250 : vector<512x128xf32>
    %get3A_260 = arith.constant 0 : index
    %get3A_261 = arith.constant 1792 : index
    %get3A_262 = vector.load %arg8[%get3A_260, %get3A_261] : memref<32x8192xf32, #tpu.memory_space<vmem>>, vector<32x128xf32>
    %dot_general3A_263 = arith.constant dense<0.000000e+00> : vector<512x128xf32>
    %dot_general3A_264 = tpu.matmul %get3A_5, %get3A_262, %dot_general3A_263 {dimension_numbers = #tpu.dot_dimension_numbers<[0], [0], [1], [1], [0, 1, 1, 1], [], []>, transpose_lhs_hint = false} : vector<32x512xf32>, vector<32x128xf32>, vector<512x128xf32> -> vector<512x128xf32>
    %get3A_265 = arith.constant 0 : index
    %get3A_266 = arith.constant 1792 : index
    %get3A_267 = vector.load %arg4[%get3A_265, %get3A_266] : memref<1x8192xf32, #tpu.memory_space<vmem>>, vector<1x128xf32>
    %get3A_268 = vector.shape_cast %get3A_267 : vector<1x128xf32> to vector<128xf32>
    %broadcast_in_dim3A_269 = vector.shape_cast %get3A_268 : vector<128xf32> to vector<1x128xf32>
    %add3A_270 = vector.broadcast %get3A_8 : vector<512x1xf32> to vector<512x128xf32>
    %add3A_271 = vector.broadcast %broadcast_in_dim3A_269 : vector<1x128xf32> to vector<512x128xf32>
    %add3A_272 = arith.addf %add3A_270, %add3A_271 : vector<512x128xf32>
    %sub3A_273 = arith.subf %add3A_272, %dot_general3A_264 : vector<512x128xf32>
    %get3A_274 = arith.constant 0 : index
    %get3A_275 = arith.constant 1920 : index
    %get3A_276 = vector.load %arg8[%get3A_274, %get3A_275] : memref<32x8192xf32, #tpu.memory_space<vmem>>, vector<32x128xf32>
    %dot_general3A_277 = arith.constant dense<0.000000e+00> : vector<512x128xf32>
    %dot_general3A_278 = tpu.matmul %get3A_5, %get3A_276, %dot_general3A_277 {dimension_numbers = #tpu.dot_dimension_numbers<[0], [0], [1], [1], [0, 1, 1, 1], [], []>, transpose_lhs_hint = false} : vector<32x512xf32>, vector<32x128xf32>, vector<512x128xf32> -> vector<512x128xf32>
    %get3A_279 = arith.constant 0 : index
    %get3A_280 = arith.constant 1920 : index
    %get3A_281 = vector.load %arg4[%get3A_279, %get3A_280] : memref<1x8192xf32, #tpu.memory_space<vmem>>, vector<1x128xf32>
    %get3A_282 = vector.shape_cast %get3A_281 : vector<1x128xf32> to vector<128xf32>
    %broadcast_in_dim3A_283 = vector.shape_cast %get3A_282 : vector<128xf32> to vector<1x128xf32>
    %add3A_284 = vector.broadcast %get3A_8 : vector<512x1xf32> to vector<512x128xf32>
    %add3A_285 = vector.broadcast %broadcast_in_dim3A_283 : vector<1x128xf32> to vector<512x128xf32>
    %add3A_286 = arith.addf %add3A_284, %add3A_285 : vector<512x128xf32>
    %sub3A_287 = arith.subf %add3A_286, %dot_general3A_278 : vector<512x128xf32>
    %lt3A_288 = arith.cmpf olt, %sub3A_259, %sub3A_245 : vector<512x128xf32>
    %min3A_289 = arith.minimumf %sub3A_245, %sub3A_259 : vector<512x128xf32>
    %jit3A_290 = arith.constant 1 : i32
    %jit3A_291 = arith.constant 0 : i32
    %broadcast_in_dim3A_292 = vector.broadcast %jit3A_290 : i32 to vector<512x128xi32>
    %broadcast_in_dim3A_293 = vector.broadcast %jit3A_291 : i32 to vector<512x128xi32>
    %select_n3A_294 = arith.select %lt3A_288, %broadcast_in_dim3A_292, %broadcast_in_dim3A_293 : vector<512x128xi1>, vector<512x128xi32>
    %lt3A_295 = arith.cmpf olt, %sub3A_287, %sub3A_273 : vector<512x128xf32>
    %min3A_296 = arith.minimumf %sub3A_273, %sub3A_287 : vector<512x128xf32>
    %jit3A_297 = arith.constant 3 : i32
    %jit3A_298 = arith.constant 2 : i32
    %broadcast_in_dim3A_299 = vector.broadcast %jit3A_297 : i32 to vector<512x128xi32>
    %broadcast_in_dim3A_300 = vector.broadcast %jit3A_298 : i32 to vector<512x128xi32>
    %select_n3A_301 = arith.select %lt3A_295, %broadcast_in_dim3A_299, %broadcast_in_dim3A_300 : vector<512x128xi1>, vector<512x128xi32>
    %lt3A_302 = arith.cmpf olt, %min3A_296, %min3A_289 : vector<512x128xf32>
    %min3A_303 = arith.minimumf %min3A_289, %min3A_296 : vector<512x128xf32>
    %select_n3A_304 = arith.select %lt3A_302, %select_n3A_301, %select_n3A_294 : vector<512x128xi1>, vector<512x128xi32>
    %lt3A_305 = arith.cmpf olt, %min3A_303, %min3A_227 : vector<512x128xf32>
    %min3A_306 = arith.minimumf %min3A_227, %min3A_303 : vector<512x128xf32>
    %add3A_307 = arith.constant 12 : i32
    %add3A_308 = vector.broadcast %add3A_307 : i32 to vector<512x128xi32>
    %add3A_309 = arith.addi %select_n3A_304, %add3A_308 : vector<512x128xi32>
    %select_n3A_310 = arith.select %lt3A_305, %add3A_309, %select_n3A_231 : vector<512x128xi1>, vector<512x128xi32>
    %get3A_311 = arith.constant 0 : index
    %get3A_312 = arith.constant 2048 : index
    %get3A_313 = vector.load %arg8[%get3A_311, %get3A_312] : memref<32x8192xf32, #tpu.memory_space<vmem>>, vector<32x128xf32>
    %dot_general3A_314 = arith.constant dense<0.000000e+00> : vector<512x128xf32>
    %dot_general3A_315 = tpu.matmul %get3A_5, %get3A_313, %dot_general3A_314 {dimension_numbers = #tpu.dot_dimension_numbers<[0], [0], [1], [1], [0, 1, 1, 1], [], []>, transpose_lhs_hint = false} : vector<32x512xf32>, vector<32x128xf32>, vector<512x128xf32> -> vector<512x128xf32>
    %get3A_316 = arith.constant 0 : index
    %get3A_317 = arith.constant 2048 : index
    %get3A_318 = vector.load %arg4[%get3A_316, %get3A_317] : memref<1x8192xf32, #tpu.memory_space<vmem>>, vector<1x128xf32>
    %get3A_319 = vector.shape_cast %get3A_318 : vector<1x128xf32> to vector<128xf32>
    %broadcast_in_dim3A_320 = vector.shape_cast %get3A_319 : vector<128xf32> to vector<1x128xf32>
    %add3A_321 = vector.broadcast %get3A_8 : vector<512x1xf32> to vector<512x128xf32>
    %add3A_322 = vector.broadcast %broadcast_in_dim3A_320 : vector<1x128xf32> to vector<512x128xf32>
    %add3A_323 = arith.addf %add3A_321, %add3A_322 : vector<512x128xf32>
    %sub3A_324 = arith.subf %add3A_323, %dot_general3A_315 : vector<512x128xf32>
    %get3A_325 = arith.constant 0 : index
    %get3A_326 = arith.constant 2176 : index
    %get3A_327 = vector.load %arg8[%get3A_325, %get3A_326] : memref<32x8192xf32, #tpu.memory_space<vmem>>, vector<32x128xf32>
    %dot_general3A_328 = arith.constant dense<0.000000e+00> : vector<512x128xf32>
    %dot_general3A_329 = tpu.matmul %get3A_5, %get3A_327, %dot_general3A_328 {dimension_numbers = #tpu.dot_dimension_numbers<[0], [0], [1], [1], [0, 1, 1, 1], [], []>, transpose_lhs_hint = false} : vector<32x512xf32>, vector<32x128xf32>, vector<512x128xf32> -> vector<512x128xf32>
    %get3A_330 = arith.constant 0 : index
    %get3A_331 = arith.constant 2176 : index
    %get3A_332 = vector.load %arg4[%get3A_330, %get3A_331] : memref<1x8192xf32, #tpu.memory_space<vmem>>, vector<1x128xf32>
    %get3A_333 = vector.shape_cast %get3A_332 : vector<1x128xf32> to vector<128xf32>
    %broadcast_in_dim3A_334 = vector.shape_cast %get3A_333 : vector<128xf32> to vector<1x128xf32>
    %add3A_335 = vector.broadcast %get3A_8 : vector<512x1xf32> to vector<512x128xf32>
    %add3A_336 = vector.broadcast %broadcast_in_dim3A_334 : vector<1x128xf32> to vector<512x128xf32>
    %add3A_337 = arith.addf %add3A_335, %add3A_336 : vector<512x128xf32>
    %sub3A_338 = arith.subf %add3A_337, %dot_general3A_329 : vector<512x128xf32>
    %get3A_339 = arith.constant 0 : index
    %get3A_340 = arith.constant 2304 : index
    %get3A_341 = vector.load %arg8[%get3A_339, %get3A_340] : memref<32x8192xf32, #tpu.memory_space<vmem>>, vector<32x128xf32>
    %dot_general3A_342 = arith.constant dense<0.000000e+00> : vector<512x128xf32>
    %dot_general3A_343 = tpu.matmul %get3A_5, %get3A_341, %dot_general3A_342 {dimension_numbers = #tpu.dot_dimension_numbers<[0], [0], [1], [1], [0, 1, 1, 1], [], []>, transpose_lhs_hint = false} : vector<32x512xf32>, vector<32x128xf32>, vector<512x128xf32> -> vector<512x128xf32>
    %get3A_344 = arith.constant 0 : index
    %get3A_345 = arith.constant 2304 : index
    %get3A_346 = vector.load %arg4[%get3A_344, %get3A_345] : memref<1x8192xf32, #tpu.memory_space<vmem>>, vector<1x128xf32>
    %get3A_347 = vector.shape_cast %get3A_346 : vector<1x128xf32> to vector<128xf32>
    %broadcast_in_dim3A_348 = vector.shape_cast %get3A_347 : vector<128xf32> to vector<1x128xf32>
    %add3A_349 = vector.broadcast %get3A_8 : vector<512x1xf32> to vector<512x128xf32>
    %add3A_350 = vector.broadcast %broadcast_in_dim3A_348 : vector<1x128xf32> to vector<512x128xf32>
    %add3A_351 = arith.addf %add3A_349, %add3A_350 : vector<512x128xf32>
    %sub3A_352 = arith.subf %add3A_351, %dot_general3A_343 : vector<512x128xf32>
    %get3A_353 = arith.constant 0 : index
    %get3A_354 = arith.constant 2432 : index
    %get3A_355 = vector.load %arg8[%get3A_353, %get3A_354] : memref<32x8192xf32, #tpu.memory_space<vmem>>, vector<32x128xf32>
    %dot_general3A_356 = arith.constant dense<0.000000e+00> : vector<512x128xf32>
    %dot_general3A_357 = tpu.matmul %get3A_5, %get3A_355, %dot_general3A_356 {dimension_numbers = #tpu.dot_dimension_numbers<[0], [0], [1], [1], [0, 1, 1, 1], [], []>, transpose_lhs_hint = false} : vector<32x512xf32>, vector<32x128xf32>, vector<512x128xf32> -> vector<512x128xf32>
    %get3A_358 = arith.constant 0 : index
    %get3A_359 = arith.constant 2432 : index
    %get3A_360 = vector.load %arg4[%get3A_358, %get3A_359] : memref<1x8192xf32, #tpu.memory_space<vmem>>, vector<1x128xf32>
    %get3A_361 = vector.shape_cast %get3A_360 : vector<1x128xf32> to vector<128xf32>
    %broadcast_in_dim3A_362 = vector.shape_cast %get3A_361 : vector<128xf32> to vector<1x128xf32>
    %add3A_363 = vector.broadcast %get3A_8 : vector<512x1xf32> to vector<512x128xf32>
    %add3A_364 = vector.broadcast %broadcast_in_dim3A_362 : vector<1x128xf32> to vector<512x128xf32>
    %add3A_365 = arith.addf %add3A_363, %add3A_364 : vector<512x128xf32>
    %sub3A_366 = arith.subf %add3A_365, %dot_general3A_357 : vector<512x128xf32>
    %lt3A_367 = arith.cmpf olt, %sub3A_338, %sub3A_324 : vector<512x128xf32>
    %min3A_368 = arith.minimumf %sub3A_324, %sub3A_338 : vector<512x128xf32>
    %jit3A_369 = arith.constant 1 : i32
    %jit3A_370 = arith.constant 0 : i32
    %broadcast_in_dim3A_371 = vector.broadcast %jit3A_369 : i32 to vector<512x128xi32>
    %broadcast_in_dim3A_372 = vector.broadcast %jit3A_370 : i32 to vector<512x128xi32>
    %select_n3A_373 = arith.select %lt3A_367, %broadcast_in_dim3A_371, %broadcast_in_dim3A_372 : vector<512x128xi1>, vector<512x128xi32>
    %lt3A_374 = arith.cmpf olt, %sub3A_366, %sub3A_352 : vector<512x128xf32>
    %min3A_375 = arith.minimumf %sub3A_352, %sub3A_366 : vector<512x128xf32>
    %jit3A_376 = arith.constant 3 : i32
    %jit3A_377 = arith.constant 2 : i32
    %broadcast_in_dim3A_378 = vector.broadcast %jit3A_376 : i32 to vector<512x128xi32>
    %broadcast_in_dim3A_379 = vector.broadcast %jit3A_377 : i32 to vector<512x128xi32>
    %select_n3A_380 = arith.select %lt3A_374, %broadcast_in_dim3A_378, %broadcast_in_dim3A_379 : vector<512x128xi1>, vector<512x128xi32>
    %lt3A_381 = arith.cmpf olt, %min3A_375, %min3A_368 : vector<512x128xf32>
    %min3A_382 = arith.minimumf %min3A_368, %min3A_375 : vector<512x128xf32>
    %select_n3A_383 = arith.select %lt3A_381, %select_n3A_380, %select_n3A_373 : vector<512x128xi1>, vector<512x128xi32>
    %lt3A_384 = arith.cmpf olt, %min3A_382, %min3A_306 : vector<512x128xf32>
    %min3A_385 = arith.minimumf %min3A_306, %min3A_382 : vector<512x128xf32>
    %add3A_386 = arith.constant 16 : i32
    %add3A_387 = vector.broadcast %add3A_386 : i32 to vector<512x128xi32>
    %add3A_388 = arith.addi %select_n3A_383, %add3A_387 : vector<512x128xi32>
    %select_n3A_389 = arith.select %lt3A_384, %add3A_388, %select_n3A_310 : vector<512x128xi1>, vector<512x128xi32>
    %get3A_390 = arith.constant 0 : index
    %get3A_391 = arith.constant 2560 : index
    %get3A_392 = vector.load %arg8[%get3A_390, %get3A_391] : memref<32x8192xf32, #tpu.memory_space<vmem>>, vector<32x128xf32>
    %dot_general3A_393 = arith.constant dense<0.000000e+00> : vector<512x128xf32>
    %dot_general3A_394 = tpu.matmul %get3A_5, %get3A_392, %dot_general3A_393 {dimension_numbers = #tpu.dot_dimension_numbers<[0], [0], [1], [1], [0, 1, 1, 1], [], []>, transpose_lhs_hint = false} : vector<32x512xf32>, vector<32x128xf32>, vector<512x128xf32> -> vector<512x128xf32>
    %get3A_395 = arith.constant 0 : index
    %get3A_396 = arith.constant 2560 : index
    %get3A_397 = vector.load %arg4[%get3A_395, %get3A_396] : memref<1x8192xf32, #tpu.memory_space<vmem>>, vector<1x128xf32>
    %get3A_398 = vector.shape_cast %get3A_397 : vector<1x128xf32> to vector<128xf32>
    %broadcast_in_dim3A_399 = vector.shape_cast %get3A_398 : vector<128xf32> to vector<1x128xf32>
    %add3A_400 = vector.broadcast %get3A_8 : vector<512x1xf32> to vector<512x128xf32>
    %add3A_401 = vector.broadcast %broadcast_in_dim3A_399 : vector<1x128xf32> to vector<512x128xf32>
    %add3A_402 = arith.addf %add3A_400, %add3A_401 : vector<512x128xf32>
    %sub3A_403 = arith.subf %add3A_402, %dot_general3A_394 : vector<512x128xf32>
    %get3A_404 = arith.constant 0 : index
    %get3A_405 = arith.constant 2688 : index
    %get3A_406 = vector.load %arg8[%get3A_404, %get3A_405] : memref<32x8192xf32, #tpu.memory_space<vmem>>, vector<32x128xf32>
    %dot_general3A_407 = arith.constant dense<0.000000e+00> : vector<512x128xf32>
    %dot_general3A_408 = tpu.matmul %get3A_5, %get3A_406, %dot_general3A_407 {dimension_numbers = #tpu.dot_dimension_numbers<[0], [0], [1], [1], [0, 1, 1, 1], [], []>, transpose_lhs_hint = false} : vector<32x512xf32>, vector<32x128xf32>, vector<512x128xf32> -> vector<512x128xf32>
    %get3A_409 = arith.constant 0 : index
    %get3A_410 = arith.constant 2688 : index
    %get3A_411 = vector.load %arg4[%get3A_409, %get3A_410] : memref<1x8192xf32, #tpu.memory_space<vmem>>, vector<1x128xf32>
    %get3A_412 = vector.shape_cast %get3A_411 : vector<1x128xf32> to vector<128xf32>
    %broadcast_in_dim3A_413 = vector.shape_cast %get3A_412 : vector<128xf32> to vector<1x128xf32>
    %add3A_414 = vector.broadcast %get3A_8 : vector<512x1xf32> to vector<512x128xf32>
    %add3A_415 = vector.broadcast %broadcast_in_dim3A_413 : vector<1x128xf32> to vector<512x128xf32>
    %add3A_416 = arith.addf %add3A_414, %add3A_415 : vector<512x128xf32>
    %sub3A_417 = arith.subf %add3A_416, %dot_general3A_408 : vector<512x128xf32>
    %get3A_418 = arith.constant 0 : index
    %get3A_419 = arith.constant 2816 : index
    %get3A_420 = vector.load %arg8[%get3A_418, %get3A_419] : memref<32x8192xf32, #tpu.memory_space<vmem>>, vector<32x128xf32>
    %dot_general3A_421 = arith.constant dense<0.000000e+00> : vector<512x128xf32>
    %dot_general3A_422 = tpu.matmul %get3A_5, %get3A_420, %dot_general3A_421 {dimension_numbers = #tpu.dot_dimension_numbers<[0], [0], [1], [1], [0, 1, 1, 1], [], []>, transpose_lhs_hint = false} : vector<32x512xf32>, vector<32x128xf32>, vector<512x128xf32> -> vector<512x128xf32>
    %get3A_423 = arith.constant 0 : index
    %get3A_424 = arith.constant 2816 : index
    %get3A_425 = vector.load %arg4[%get3A_423, %get3A_424] : memref<1x8192xf32, #tpu.memory_space<vmem>>, vector<1x128xf32>
    %get3A_426 = vector.shape_cast %get3A_425 : vector<1x128xf32> to vector<128xf32>
    %broadcast_in_dim3A_427 = vector.shape_cast %get3A_426 : vector<128xf32> to vector<1x128xf32>
    %add3A_428 = vector.broadcast %get3A_8 : vector<512x1xf32> to vector<512x128xf32>
    %add3A_429 = vector.broadcast %broadcast_in_dim3A_427 : vector<1x128xf32> to vector<512x128xf32>
    %add3A_430 = arith.addf %add3A_428, %add3A_429 : vector<512x128xf32>
    %sub3A_431 = arith.subf %add3A_430, %dot_general3A_422 : vector<512x128xf32>
    %get3A_432 = arith.constant 0 : index
    %get3A_433 = arith.constant 2944 : index
    %get3A_434 = vector.load %arg8[%get3A_432, %get3A_433] : memref<32x8192xf32, #tpu.memory_space<vmem>>, vector<32x128xf32>
    %dot_general3A_435 = arith.constant dense<0.000000e+00> : vector<512x128xf32>
    %dot_general3A_436 = tpu.matmul %get3A_5, %get3A_434, %dot_general3A_435 {dimension_numbers = #tpu.dot_dimension_numbers<[0], [0], [1], [1], [0, 1, 1, 1], [], []>, transpose_lhs_hint = false} : vector<32x512xf32>, vector<32x128xf32>, vector<512x128xf32> -> vector<512x128xf32>
    %get3A_437 = arith.constant 0 : index
    %get3A_438 = arith.constant 2944 : index
    %get3A_439 = vector.load %arg4[%get3A_437, %get3A_438] : memref<1x8192xf32, #tpu.memory_space<vmem>>, vector<1x128xf32>
    %get3A_440 = vector.shape_cast %get3A_439 : vector<1x128xf32> to vector<128xf32>
    %broadcast_in_dim3A_441 = vector.shape_cast %get3A_440 : vector<128xf32> to vector<1x128xf32>
    %add3A_442 = vector.broadcast %get3A_8 : vector<512x1xf32> to vector<512x128xf32>
    %add3A_443 = vector.broadcast %broadcast_in_dim3A_441 : vector<1x128xf32> to vector<512x128xf32>
    %add3A_444 = arith.addf %add3A_442, %add3A_443 : vector<512x128xf32>
    %sub3A_445 = arith.subf %add3A_444, %dot_general3A_436 : vector<512x128xf32>
    %lt3A_446 = arith.cmpf olt, %sub3A_417, %sub3A_403 : vector<512x128xf32>
    %min3A_447 = arith.minimumf %sub3A_403, %sub3A_417 : vector<512x128xf32>
    %jit3A_448 = arith.constant 1 : i32
    %jit3A_449 = arith.constant 0 : i32
    %broadcast_in_dim3A_450 = vector.broadcast %jit3A_448 : i32 to vector<512x128xi32>
    %broadcast_in_dim3A_451 = vector.broadcast %jit3A_449 : i32 to vector<512x128xi32>
    %select_n3A_452 = arith.select %lt3A_446, %broadcast_in_dim3A_450, %broadcast_in_dim3A_451 : vector<512x128xi1>, vector<512x128xi32>
    %lt3A_453 = arith.cmpf olt, %sub3A_445, %sub3A_431 : vector<512x128xf32>
    %min3A_454 = arith.minimumf %sub3A_431, %sub3A_445 : vector<512x128xf32>
    %jit3A_455 = arith.constant 3 : i32
    %jit3A_456 = arith.constant 2 : i32
    %broadcast_in_dim3A_457 = vector.broadcast %jit3A_455 : i32 to vector<512x128xi32>
    %broadcast_in_dim3A_458 = vector.broadcast %jit3A_456 : i32 to vector<512x128xi32>
    %select_n3A_459 = arith.select %lt3A_453, %broadcast_in_dim3A_457, %broadcast_in_dim3A_458 : vector<512x128xi1>, vector<512x128xi32>
    %lt3A_460 = arith.cmpf olt, %min3A_454, %min3A_447 : vector<512x128xf32>
    %min3A_461 = arith.minimumf %min3A_447, %min3A_454 : vector<512x128xf32>
    %select_n3A_462 = arith.select %lt3A_460, %select_n3A_459, %select_n3A_452 : vector<512x128xi1>, vector<512x128xi32>
    %lt3A_463 = arith.cmpf olt, %min3A_461, %min3A_385 : vector<512x128xf32>
    %min3A_464 = arith.minimumf %min3A_385, %min3A_461 : vector<512x128xf32>
    %add3A_465 = arith.constant 20 : i32
    %add3A_466 = vector.broadcast %add3A_465 : i32 to vector<512x128xi32>
    %add3A_467 = arith.addi %select_n3A_462, %add3A_466 : vector<512x128xi32>
    %select_n3A_468 = arith.select %lt3A_463, %add3A_467, %select_n3A_389 : vector<512x128xi1>, vector<512x128xi32>
    %get3A_469 = arith.constant 0 : index
    %get3A_470 = arith.constant 3072 : index
    %get3A_471 = vector.load %arg8[%get3A_469, %get3A_470] : memref<32x8192xf32, #tpu.memory_space<vmem>>, vector<32x128xf32>
    %dot_general3A_472 = arith.constant dense<0.000000e+00> : vector<512x128xf32>
    %dot_general3A_473 = tpu.matmul %get3A_5, %get3A_471, %dot_general3A_472 {dimension_numbers = #tpu.dot_dimension_numbers<[0], [0], [1], [1], [0, 1, 1, 1], [], []>, transpose_lhs_hint = false} : vector<32x512xf32>, vector<32x128xf32>, vector<512x128xf32> -> vector<512x128xf32>
    %get3A_474 = arith.constant 0 : index
    %get3A_475 = arith.constant 3072 : index
    %get3A_476 = vector.load %arg4[%get3A_474, %get3A_475] : memref<1x8192xf32, #tpu.memory_space<vmem>>, vector<1x128xf32>
    %get3A_477 = vector.shape_cast %get3A_476 : vector<1x128xf32> to vector<128xf32>
    %broadcast_in_dim3A_478 = vector.shape_cast %get3A_477 : vector<128xf32> to vector<1x128xf32>
    %add3A_479 = vector.broadcast %get3A_8 : vector<512x1xf32> to vector<512x128xf32>
    %add3A_480 = vector.broadcast %broadcast_in_dim3A_478 : vector<1x128xf32> to vector<512x128xf32>
    %add3A_481 = arith.addf %add3A_479, %add3A_480 : vector<512x128xf32>
    %sub3A_482 = arith.subf %add3A_481, %dot_general3A_473 : vector<512x128xf32>
    %get3A_483 = arith.constant 0 : index
    %get3A_484 = arith.constant 3200 : index
    %get3A_485 = vector.load %arg8[%get3A_483, %get3A_484] : memref<32x8192xf32, #tpu.memory_space<vmem>>, vector<32x128xf32>
    %dot_general3A_486 = arith.constant dense<0.000000e+00> : vector<512x128xf32>
    %dot_general3A_487 = tpu.matmul %get3A_5, %get3A_485, %dot_general3A_486 {dimension_numbers = #tpu.dot_dimension_numbers<[0], [0], [1], [1], [0, 1, 1, 1], [], []>, transpose_lhs_hint = false} : vector<32x512xf32>, vector<32x128xf32>, vector<512x128xf32> -> vector<512x128xf32>
    %get3A_488 = arith.constant 0 : index
    %get3A_489 = arith.constant 3200 : index
    %get3A_490 = vector.load %arg4[%get3A_488, %get3A_489] : memref<1x8192xf32, #tpu.memory_space<vmem>>, vector<1x128xf32>
    %get3A_491 = vector.shape_cast %get3A_490 : vector<1x128xf32> to vector<128xf32>
    %broadcast_in_dim3A_492 = vector.shape_cast %get3A_491 : vector<128xf32> to vector<1x128xf32>
    %add3A_493 = vector.broadcast %get3A_8 : vector<512x1xf32> to vector<512x128xf32>
    %add3A_494 = vector.broadcast %broadcast_in_dim3A_492 : vector<1x128xf32> to vector<512x128xf32>
    %add3A_495 = arith.addf %add3A_493, %add3A_494 : vector<512x128xf32>
    %sub3A_496 = arith.subf %add3A_495, %dot_general3A_487 : vector<512x128xf32>
    %get3A_497 = arith.constant 0 : index
    %get3A_498 = arith.constant 3328 : index
    %get3A_499 = vector.load %arg8[%get3A_497, %get3A_498] : memref<32x8192xf32, #tpu.memory_space<vmem>>, vector<32x128xf32>
    %dot_general3A_500 = arith.constant dense<0.000000e+00> : vector<512x128xf32>
    %dot_general3A_501 = tpu.matmul %get3A_5, %get3A_499, %dot_general3A_500 {dimension_numbers = #tpu.dot_dimension_numbers<[0], [0], [1], [1], [0, 1, 1, 1], [], []>, transpose_lhs_hint = false} : vector<32x512xf32>, vector<32x128xf32>, vector<512x128xf32> -> vector<512x128xf32>
    %get3A_502 = arith.constant 0 : index
    %get3A_503 = arith.constant 3328 : index
    %get3A_504 = vector.load %arg4[%get3A_502, %get3A_503] : memref<1x8192xf32, #tpu.memory_space<vmem>>, vector<1x128xf32>
    %get3A_505 = vector.shape_cast %get3A_504 : vector<1x128xf32> to vector<128xf32>
    %broadcast_in_dim3A_506 = vector.shape_cast %get3A_505 : vector<128xf32> to vector<1x128xf32>
    %add3A_507 = vector.broadcast %get3A_8 : vector<512x1xf32> to vector<512x128xf32>
    %add3A_508 = vector.broadcast %broadcast_in_dim3A_506 : vector<1x128xf32> to vector<512x128xf32>
    %add3A_509 = arith.addf %add3A_507, %add3A_508 : vector<512x128xf32>
    %sub3A_510 = arith.subf %add3A_509, %dot_general3A_501 : vector<512x128xf32>
    %get3A_511 = arith.constant 0 : index
    %get3A_512 = arith.constant 3456 : index
    %get3A_513 = vector.load %arg8[%get3A_511, %get3A_512] : memref<32x8192xf32, #tpu.memory_space<vmem>>, vector<32x128xf32>
    %dot_general3A_514 = arith.constant dense<0.000000e+00> : vector<512x128xf32>
    %dot_general3A_515 = tpu.matmul %get3A_5, %get3A_513, %dot_general3A_514 {dimension_numbers = #tpu.dot_dimension_numbers<[0], [0], [1], [1], [0, 1, 1, 1], [], []>, transpose_lhs_hint = false} : vector<32x512xf32>, vector<32x128xf32>, vector<512x128xf32> -> vector<512x128xf32>
    %get3A_516 = arith.constant 0 : index
    %get3A_517 = arith.constant 3456 : index
    %get3A_518 = vector.load %arg4[%get3A_516, %get3A_517] : memref<1x8192xf32, #tpu.memory_space<vmem>>, vector<1x128xf32>
    %get3A_519 = vector.shape_cast %get3A_518 : vector<1x128xf32> to vector<128xf32>
    %broadcast_in_dim3A_520 = vector.shape_cast %get3A_519 : vector<128xf32> to vector<1x128xf32>
    %add3A_521 = vector.broadcast %get3A_8 : vector<512x1xf32> to vector<512x128xf32>
    %add3A_522 = vector.broadcast %broadcast_in_dim3A_520 : vector<1x128xf32> to vector<512x128xf32>
    %add3A_523 = arith.addf %add3A_521, %add3A_522 : vector<512x128xf32>
    %sub3A_524 = arith.subf %add3A_523, %dot_general3A_515 : vector<512x128xf32>
    %lt3A_525 = arith.cmpf olt, %sub3A_496, %sub3A_482 : vector<512x128xf32>
    %min3A_526 = arith.minimumf %sub3A_482, %sub3A_496 : vector<512x128xf32>
    %jit3A_527 = arith.constant 1 : i32
    %jit3A_528 = arith.constant 0 : i32
    %broadcast_in_dim3A_529 = vector.broadcast %jit3A_527 : i32 to vector<512x128xi32>
    %broadcast_in_dim3A_530 = vector.broadcast %jit3A_528 : i32 to vector<512x128xi32>
    %select_n3A_531 = arith.select %lt3A_525, %broadcast_in_dim3A_529, %broadcast_in_dim3A_530 : vector<512x128xi1>, vector<512x128xi32>
    %lt3A_532 = arith.cmpf olt, %sub3A_524, %sub3A_510 : vector<512x128xf32>
    %min3A_533 = arith.minimumf %sub3A_510, %sub3A_524 : vector<512x128xf32>
    %jit3A_534 = arith.constant 3 : i32
    %jit3A_535 = arith.constant 2 : i32
    %broadcast_in_dim3A_536 = vector.broadcast %jit3A_534 : i32 to vector<512x128xi32>
    %broadcast_in_dim3A_537 = vector.broadcast %jit3A_535 : i32 to vector<512x128xi32>
    %select_n3A_538 = arith.select %lt3A_532, %broadcast_in_dim3A_536, %broadcast_in_dim3A_537 : vector<512x128xi1>, vector<512x128xi32>
    %lt3A_539 = arith.cmpf olt, %min3A_533, %min3A_526 : vector<512x128xf32>
    %min3A_540 = arith.minimumf %min3A_526, %min3A_533 : vector<512x128xf32>
    %select_n3A_541 = arith.select %lt3A_539, %select_n3A_538, %select_n3A_531 : vector<512x128xi1>, vector<512x128xi32>
    %lt3A_542 = arith.cmpf olt, %min3A_540, %min3A_464 : vector<512x128xf32>
    %min3A_543 = arith.minimumf %min3A_464, %min3A_540 : vector<512x128xf32>
    %add3A_544 = arith.constant 24 : i32
    %add3A_545 = vector.broadcast %add3A_544 : i32 to vector<512x128xi32>
    %add3A_546 = arith.addi %select_n3A_541, %add3A_545 : vector<512x128xi32>
    %select_n3A_547 = arith.select %lt3A_542, %add3A_546, %select_n3A_468 : vector<512x128xi1>, vector<512x128xi32>
    %get3A_548 = arith.constant 0 : index
    %get3A_549 = arith.constant 3584 : index
    %get3A_550 = vector.load %arg8[%get3A_548, %get3A_549] : memref<32x8192xf32, #tpu.memory_space<vmem>>, vector<32x128xf32>
    %dot_general3A_551 = arith.constant dense<0.000000e+00> : vector<512x128xf32>
    %dot_general3A_552 = tpu.matmul %get3A_5, %get3A_550, %dot_general3A_551 {dimension_numbers = #tpu.dot_dimension_numbers<[0], [0], [1], [1], [0, 1, 1, 1], [], []>, transpose_lhs_hint = false} : vector<32x512xf32>, vector<32x128xf32>, vector<512x128xf32> -> vector<512x128xf32>
    %get3A_553 = arith.constant 0 : index
    %get3A_554 = arith.constant 3584 : index
    %get3A_555 = vector.load %arg4[%get3A_553, %get3A_554] : memref<1x8192xf32, #tpu.memory_space<vmem>>, vector<1x128xf32>
    %get3A_556 = vector.shape_cast %get3A_555 : vector<1x128xf32> to vector<128xf32>
    %broadcast_in_dim3A_557 = vector.shape_cast %get3A_556 : vector<128xf32> to vector<1x128xf32>
    %add3A_558 = vector.broadcast %get3A_8 : vector<512x1xf32> to vector<512x128xf32>
    %add3A_559 = vector.broadcast %broadcast_in_dim3A_557 : vector<1x128xf32> to vector<512x128xf32>
    %add3A_560 = arith.addf %add3A_558, %add3A_559 : vector<512x128xf32>
    %sub3A_561 = arith.subf %add3A_560, %dot_general3A_552 : vector<512x128xf32>
    %get3A_562 = arith.constant 0 : index
    %get3A_563 = arith.constant 3712 : index
    %get3A_564 = vector.load %arg8[%get3A_562, %get3A_563] : memref<32x8192xf32, #tpu.memory_space<vmem>>, vector<32x128xf32>
    %dot_general3A_565 = arith.constant dense<0.000000e+00> : vector<512x128xf32>
    %dot_general3A_566 = tpu.matmul %get3A_5, %get3A_564, %dot_general3A_565 {dimension_numbers = #tpu.dot_dimension_numbers<[0], [0], [1], [1], [0, 1, 1, 1], [], []>, transpose_lhs_hint = false} : vector<32x512xf32>, vector<32x128xf32>, vector<512x128xf32> -> vector<512x128xf32>
    %get3A_567 = arith.constant 0 : index
    %get3A_568 = arith.constant 3712 : index
    %get3A_569 = vector.load %arg4[%get3A_567, %get3A_568] : memref<1x8192xf32, #tpu.memory_space<vmem>>, vector<1x128xf32>
    %get3A_570 = vector.shape_cast %get3A_569 : vector<1x128xf32> to vector<128xf32>
    %broadcast_in_dim3A_571 = vector.shape_cast %get3A_570 : vector<128xf32> to vector<1x128xf32>
    %add3A_572 = vector.broadcast %get3A_8 : vector<512x1xf32> to vector<512x128xf32>
    %add3A_573 = vector.broadcast %broadcast_in_dim3A_571 : vector<1x128xf32> to vector<512x128xf32>
    %add3A_574 = arith.addf %add3A_572, %add3A_573 : vector<512x128xf32>
    %sub3A_575 = arith.subf %add3A_574, %dot_general3A_566 : vector<512x128xf32>
    %get3A_576 = arith.constant 0 : index
    %get3A_577 = arith.constant 3840 : index
    %get3A_578 = vector.load %arg8[%get3A_576, %get3A_577] : memref<32x8192xf32, #tpu.memory_space<vmem>>, vector<32x128xf32>
    %dot_general3A_579 = arith.constant dense<0.000000e+00> : vector<512x128xf32>
    %dot_general3A_580 = tpu.matmul %get3A_5, %get3A_578, %dot_general3A_579 {dimension_numbers = #tpu.dot_dimension_numbers<[0], [0], [1], [1], [0, 1, 1, 1], [], []>, transpose_lhs_hint = false} : vector<32x512xf32>, vector<32x128xf32>, vector<512x128xf32> -> vector<512x128xf32>
    %get3A_581 = arith.constant 0 : index
    %get3A_582 = arith.constant 3840 : index
    %get3A_583 = vector.load %arg4[%get3A_581, %get3A_582] : memref<1x8192xf32, #tpu.memory_space<vmem>>, vector<1x128xf32>
    %get3A_584 = vector.shape_cast %get3A_583 : vector<1x128xf32> to vector<128xf32>
    %broadcast_in_dim3A_585 = vector.shape_cast %get3A_584 : vector<128xf32> to vector<1x128xf32>
    %add3A_586 = vector.broadcast %get3A_8 : vector<512x1xf32> to vector<512x128xf32>
    %add3A_587 = vector.broadcast %broadcast_in_dim3A_585 : vector<1x128xf32> to vector<512x128xf32>
    %add3A_588 = arith.addf %add3A_586, %add3A_587 : vector<512x128xf32>
    %sub3A_589 = arith.subf %add3A_588, %dot_general3A_580 : vector<512x128xf32>
    %get3A_590 = arith.constant 0 : index
    %get3A_591 = arith.constant 3968 : index
    %get3A_592 = vector.load %arg8[%get3A_590, %get3A_591] : memref<32x8192xf32, #tpu.memory_space<vmem>>, vector<32x128xf32>
    %dot_general3A_593 = arith.constant dense<0.000000e+00> : vector<512x128xf32>
    %dot_general3A_594 = tpu.matmul %get3A_5, %get3A_592, %dot_general3A_593 {dimension_numbers = #tpu.dot_dimension_numbers<[0], [0], [1], [1], [0, 1, 1, 1], [], []>, transpose_lhs_hint = false} : vector<32x512xf32>, vector<32x128xf32>, vector<512x128xf32> -> vector<512x128xf32>
    %get3A_595 = arith.constant 0 : index
    %get3A_596 = arith.constant 3968 : index
    %get3A_597 = vector.load %arg4[%get3A_595, %get3A_596] : memref<1x8192xf32, #tpu.memory_space<vmem>>, vector<1x128xf32>
    %get3A_598 = vector.shape_cast %get3A_597 : vector<1x128xf32> to vector<128xf32>
    %broadcast_in_dim3A_599 = vector.shape_cast %get3A_598 : vector<128xf32> to vector<1x128xf32>
    %add3A_600 = vector.broadcast %get3A_8 : vector<512x1xf32> to vector<512x128xf32>
    %add3A_601 = vector.broadcast %broadcast_in_dim3A_599 : vector<1x128xf32> to vector<512x128xf32>
    %add3A_602 = arith.addf %add3A_600, %add3A_601 : vector<512x128xf32>
    %sub3A_603 = arith.subf %add3A_602, %dot_general3A_594 : vector<512x128xf32>
    %lt3A_604 = arith.cmpf olt, %sub3A_575, %sub3A_561 : vector<512x128xf32>
    %min3A_605 = arith.minimumf %sub3A_561, %sub3A_575 : vector<512x128xf32>
    %jit3A_606 = arith.constant 1 : i32
    %jit3A_607 = arith.constant 0 : i32
    %broadcast_in_dim3A_608 = vector.broadcast %jit3A_606 : i32 to vector<512x128xi32>
    %broadcast_in_dim3A_609 = vector.broadcast %jit3A_607 : i32 to vector<512x128xi32>
    %select_n3A_610 = arith.select %lt3A_604, %broadcast_in_dim3A_608, %broadcast_in_dim3A_609 : vector<512x128xi1>, vector<512x128xi32>
    %lt3A_611 = arith.cmpf olt, %sub3A_603, %sub3A_589 : vector<512x128xf32>
    %min3A_612 = arith.minimumf %sub3A_589, %sub3A_603 : vector<512x128xf32>
    %jit3A_613 = arith.constant 3 : i32
    %jit3A_614 = arith.constant 2 : i32
    %broadcast_in_dim3A_615 = vector.broadcast %jit3A_613 : i32 to vector<512x128xi32>
    %broadcast_in_dim3A_616 = vector.broadcast %jit3A_614 : i32 to vector<512x128xi32>
    %select_n3A_617 = arith.select %lt3A_611, %broadcast_in_dim3A_615, %broadcast_in_dim3A_616 : vector<512x128xi1>, vector<512x128xi32>
    %lt3A_618 = arith.cmpf olt, %min3A_612, %min3A_605 : vector<512x128xf32>
    %min3A_619 = arith.minimumf %min3A_605, %min3A_612 : vector<512x128xf32>
    %select_n3A_620 = arith.select %lt3A_618, %select_n3A_617, %select_n3A_610 : vector<512x128xi1>, vector<512x128xi32>
    %lt3A_621 = arith.cmpf olt, %min3A_619, %min3A_543 : vector<512x128xf32>
    %min3A_622 = arith.minimumf %min3A_543, %min3A_619 : vector<512x128xf32>
    %add3A_623 = arith.constant 28 : i32
    %add3A_624 = vector.broadcast %add3A_623 : i32 to vector<512x128xi32>
    %add3A_625 = arith.addi %select_n3A_620, %add3A_624 : vector<512x128xi32>
    %select_n3A_626 = arith.select %lt3A_621, %add3A_625, %select_n3A_547 : vector<512x128xi1>, vector<512x128xi32>
    %get3A_627 = arith.constant 0 : index
    %get3A_628 = arith.constant 4096 : index
    %get3A_629 = vector.load %arg8[%get3A_627, %get3A_628] : memref<32x8192xf32, #tpu.memory_space<vmem>>, vector<32x128xf32>
    %dot_general3A_630 = arith.constant dense<0.000000e+00> : vector<512x128xf32>
    %dot_general3A_631 = tpu.matmul %get3A_5, %get3A_629, %dot_general3A_630 {dimension_numbers = #tpu.dot_dimension_numbers<[0], [0], [1], [1], [0, 1, 1, 1], [], []>, transpose_lhs_hint = false} : vector<32x512xf32>, vector<32x128xf32>, vector<512x128xf32> -> vector<512x128xf32>
    %get3A_632 = arith.constant 0 : index
    %get3A_633 = arith.constant 4096 : index
    %get3A_634 = vector.load %arg4[%get3A_632, %get3A_633] : memref<1x8192xf32, #tpu.memory_space<vmem>>, vector<1x128xf32>
    %get3A_635 = vector.shape_cast %get3A_634 : vector<1x128xf32> to vector<128xf32>
    %broadcast_in_dim3A_636 = vector.shape_cast %get3A_635 : vector<128xf32> to vector<1x128xf32>
    %add3A_637 = vector.broadcast %get3A_8 : vector<512x1xf32> to vector<512x128xf32>
    %add3A_638 = vector.broadcast %broadcast_in_dim3A_636 : vector<1x128xf32> to vector<512x128xf32>
    %add3A_639 = arith.addf %add3A_637, %add3A_638 : vector<512x128xf32>
    %sub3A_640 = arith.subf %add3A_639, %dot_general3A_631 : vector<512x128xf32>
    %get3A_641 = arith.constant 0 : index
    %get3A_642 = arith.constant 4224 : index
    %get3A_643 = vector.load %arg8[%get3A_641, %get3A_642] : memref<32x8192xf32, #tpu.memory_space<vmem>>, vector<32x128xf32>
    %dot_general3A_644 = arith.constant dense<0.000000e+00> : vector<512x128xf32>
    %dot_general3A_645 = tpu.matmul %get3A_5, %get3A_643, %dot_general3A_644 {dimension_numbers = #tpu.dot_dimension_numbers<[0], [0], [1], [1], [0, 1, 1, 1], [], []>, transpose_lhs_hint = false} : vector<32x512xf32>, vector<32x128xf32>, vector<512x128xf32> -> vector<512x128xf32>
    %get3A_646 = arith.constant 0 : index
    %get3A_647 = arith.constant 4224 : index
    %get3A_648 = vector.load %arg4[%get3A_646, %get3A_647] : memref<1x8192xf32, #tpu.memory_space<vmem>>, vector<1x128xf32>
    %get3A_649 = vector.shape_cast %get3A_648 : vector<1x128xf32> to vector<128xf32>
    %broadcast_in_dim3A_650 = vector.shape_cast %get3A_649 : vector<128xf32> to vector<1x128xf32>
    %add3A_651 = vector.broadcast %get3A_8 : vector<512x1xf32> to vector<512x128xf32>
    %add3A_652 = vector.broadcast %broadcast_in_dim3A_650 : vector<1x128xf32> to vector<512x128xf32>
    %add3A_653 = arith.addf %add3A_651, %add3A_652 : vector<512x128xf32>
    %sub3A_654 = arith.subf %add3A_653, %dot_general3A_645 : vector<512x128xf32>
    %get3A_655 = arith.constant 0 : index
    %get3A_656 = arith.constant 4352 : index
    %get3A_657 = vector.load %arg8[%get3A_655, %get3A_656] : memref<32x8192xf32, #tpu.memory_space<vmem>>, vector<32x128xf32>
    %dot_general3A_658 = arith.constant dense<0.000000e+00> : vector<512x128xf32>
    %dot_general3A_659 = tpu.matmul %get3A_5, %get3A_657, %dot_general3A_658 {dimension_numbers = #tpu.dot_dimension_numbers<[0], [0], [1], [1], [0, 1, 1, 1], [], []>, transpose_lhs_hint = false} : vector<32x512xf32>, vector<32x128xf32>, vector<512x128xf32> -> vector<512x128xf32>
    %get3A_660 = arith.constant 0 : index
    %get3A_661 = arith.constant 4352 : index
    %get3A_662 = vector.load %arg4[%get3A_660, %get3A_661] : memref<1x8192xf32, #tpu.memory_space<vmem>>, vector<1x128xf32>
    %get3A_663 = vector.shape_cast %get3A_662 : vector<1x128xf32> to vector<128xf32>
    %broadcast_in_dim3A_664 = vector.shape_cast %get3A_663 : vector<128xf32> to vector<1x128xf32>
    %add3A_665 = vector.broadcast %get3A_8 : vector<512x1xf32> to vector<512x128xf32>
    %add3A_666 = vector.broadcast %broadcast_in_dim3A_664 : vector<1x128xf32> to vector<512x128xf32>
    %add3A_667 = arith.addf %add3A_665, %add3A_666 : vector<512x128xf32>
    %sub3A_668 = arith.subf %add3A_667, %dot_general3A_659 : vector<512x128xf32>
    %get3A_669 = arith.constant 0 : index
    %get3A_670 = arith.constant 4480 : index
    %get3A_671 = vector.load %arg8[%get3A_669, %get3A_670] : memref<32x8192xf32, #tpu.memory_space<vmem>>, vector<32x128xf32>
    %dot_general3A_672 = arith.constant dense<0.000000e+00> : vector<512x128xf32>
    %dot_general3A_673 = tpu.matmul %get3A_5, %get3A_671, %dot_general3A_672 {dimension_numbers = #tpu.dot_dimension_numbers<[0], [0], [1], [1], [0, 1, 1, 1], [], []>, transpose_lhs_hint = false} : vector<32x512xf32>, vector<32x128xf32>, vector<512x128xf32> -> vector<512x128xf32>
    %get3A_674 = arith.constant 0 : index
    %get3A_675 = arith.constant 4480 : index
    %get3A_676 = vector.load %arg4[%get3A_674, %get3A_675] : memref<1x8192xf32, #tpu.memory_space<vmem>>, vector<1x128xf32>
    %get3A_677 = vector.shape_cast %get3A_676 : vector<1x128xf32> to vector<128xf32>
    %broadcast_in_dim3A_678 = vector.shape_cast %get3A_677 : vector<128xf32> to vector<1x128xf32>
    %add3A_679 = vector.broadcast %get3A_8 : vector<512x1xf32> to vector<512x128xf32>
    %add3A_680 = vector.broadcast %broadcast_in_dim3A_678 : vector<1x128xf32> to vector<512x128xf32>
    %add3A_681 = arith.addf %add3A_679, %add3A_680 : vector<512x128xf32>
    %sub3A_682 = arith.subf %add3A_681, %dot_general3A_673 : vector<512x128xf32>
    %lt3A_683 = arith.cmpf olt, %sub3A_654, %sub3A_640 : vector<512x128xf32>
    %min3A_684 = arith.minimumf %sub3A_640, %sub3A_654 : vector<512x128xf32>
    %jit3A_685 = arith.constant 1 : i32
    %jit3A_686 = arith.constant 0 : i32
    %broadcast_in_dim3A_687 = vector.broadcast %jit3A_685 : i32 to vector<512x128xi32>
    %broadcast_in_dim3A_688 = vector.broadcast %jit3A_686 : i32 to vector<512x128xi32>
    %select_n3A_689 = arith.select %lt3A_683, %broadcast_in_dim3A_687, %broadcast_in_dim3A_688 : vector<512x128xi1>, vector<512x128xi32>
    %lt3A_690 = arith.cmpf olt, %sub3A_682, %sub3A_668 : vector<512x128xf32>
    %min3A_691 = arith.minimumf %sub3A_668, %sub3A_682 : vector<512x128xf32>
    %jit3A_692 = arith.constant 3 : i32
    %jit3A_693 = arith.constant 2 : i32
    %broadcast_in_dim3A_694 = vector.broadcast %jit3A_692 : i32 to vector<512x128xi32>
    %broadcast_in_dim3A_695 = vector.broadcast %jit3A_693 : i32 to vector<512x128xi32>
    %select_n3A_696 = arith.select %lt3A_690, %broadcast_in_dim3A_694, %broadcast_in_dim3A_695 : vector<512x128xi1>, vector<512x128xi32>
    %lt3A_697 = arith.cmpf olt, %min3A_691, %min3A_684 : vector<512x128xf32>
    %min3A_698 = arith.minimumf %min3A_684, %min3A_691 : vector<512x128xf32>
    %select_n3A_699 = arith.select %lt3A_697, %select_n3A_696, %select_n3A_689 : vector<512x128xi1>, vector<512x128xi32>
    %lt3A_700 = arith.cmpf olt, %min3A_698, %min3A_622 : vector<512x128xf32>
    %min3A_701 = arith.minimumf %min3A_622, %min3A_698 : vector<512x128xf32>
    %add3A_702 = arith.constant 32 : i32
    %add3A_703 = vector.broadcast %add3A_702 : i32 to vector<512x128xi32>
    %add3A_704 = arith.addi %select_n3A_699, %add3A_703 : vector<512x128xi32>
    %select_n3A_705 = arith.select %lt3A_700, %add3A_704, %select_n3A_626 : vector<512x128xi1>, vector<512x128xi32>
    %get3A_706 = arith.constant 0 : index
    %get3A_707 = arith.constant 4608 : index
    %get3A_708 = vector.load %arg8[%get3A_706, %get3A_707] : memref<32x8192xf32, #tpu.memory_space<vmem>>, vector<32x128xf32>
    %dot_general3A_709 = arith.constant dense<0.000000e+00> : vector<512x128xf32>
    %dot_general3A_710 = tpu.matmul %get3A_5, %get3A_708, %dot_general3A_709 {dimension_numbers = #tpu.dot_dimension_numbers<[0], [0], [1], [1], [0, 1, 1, 1], [], []>, transpose_lhs_hint = false} : vector<32x512xf32>, vector<32x128xf32>, vector<512x128xf32> -> vector<512x128xf32>
    %get3A_711 = arith.constant 0 : index
    %get3A_712 = arith.constant 4608 : index
    %get3A_713 = vector.load %arg4[%get3A_711, %get3A_712] : memref<1x8192xf32, #tpu.memory_space<vmem>>, vector<1x128xf32>
    %get3A_714 = vector.shape_cast %get3A_713 : vector<1x128xf32> to vector<128xf32>
    %broadcast_in_dim3A_715 = vector.shape_cast %get3A_714 : vector<128xf32> to vector<1x128xf32>
    %add3A_716 = vector.broadcast %get3A_8 : vector<512x1xf32> to vector<512x128xf32>
    %add3A_717 = vector.broadcast %broadcast_in_dim3A_715 : vector<1x128xf32> to vector<512x128xf32>
    %add3A_718 = arith.addf %add3A_716, %add3A_717 : vector<512x128xf32>
    %sub3A_719 = arith.subf %add3A_718, %dot_general3A_710 : vector<512x128xf32>
    %get3A_720 = arith.constant 0 : index
    %get3A_721 = arith.constant 4736 : index
    %get3A_722 = vector.load %arg8[%get3A_720, %get3A_721] : memref<32x8192xf32, #tpu.memory_space<vmem>>, vector<32x128xf32>
    %dot_general3A_723 = arith.constant dense<0.000000e+00> : vector<512x128xf32>
    %dot_general3A_724 = tpu.matmul %get3A_5, %get3A_722, %dot_general3A_723 {dimension_numbers = #tpu.dot_dimension_numbers<[0], [0], [1], [1], [0, 1, 1, 1], [], []>, transpose_lhs_hint = false} : vector<32x512xf32>, vector<32x128xf32>, vector<512x128xf32> -> vector<512x128xf32>
    %get3A_725 = arith.constant 0 : index
    %get3A_726 = arith.constant 4736 : index
    %get3A_727 = vector.load %arg4[%get3A_725, %get3A_726] : memref<1x8192xf32, #tpu.memory_space<vmem>>, vector<1x128xf32>
    %get3A_728 = vector.shape_cast %get3A_727 : vector<1x128xf32> to vector<128xf32>
    %broadcast_in_dim3A_729 = vector.shape_cast %get3A_728 : vector<128xf32> to vector<1x128xf32>
    %add3A_730 = vector.broadcast %get3A_8 : vector<512x1xf32> to vector<512x128xf32>
    %add3A_731 = vector.broadcast %broadcast_in_dim3A_729 : vector<1x128xf32> to vector<512x128xf32>
    %add3A_732 = arith.addf %add3A_730, %add3A_731 : vector<512x128xf32>
    %sub3A_733 = arith.subf %add3A_732, %dot_general3A_724 : vector<512x128xf32>
    %get3A_734 = arith.constant 0 : index
    %get3A_735 = arith.constant 4864 : index
    %get3A_736 = vector.load %arg8[%get3A_734, %get3A_735] : memref<32x8192xf32, #tpu.memory_space<vmem>>, vector<32x128xf32>
    %dot_general3A_737 = arith.constant dense<0.000000e+00> : vector<512x128xf32>
    %dot_general3A_738 = tpu.matmul %get3A_5, %get3A_736, %dot_general3A_737 {dimension_numbers = #tpu.dot_dimension_numbers<[0], [0], [1], [1], [0, 1, 1, 1], [], []>, transpose_lhs_hint = false} : vector<32x512xf32>, vector<32x128xf32>, vector<512x128xf32> -> vector<512x128xf32>
    %get3A_739 = arith.constant 0 : index
    %get3A_740 = arith.constant 4864 : index
    %get3A_741 = vector.load %arg4[%get3A_739, %get3A_740] : memref<1x8192xf32, #tpu.memory_space<vmem>>, vector<1x128xf32>
    %get3A_742 = vector.shape_cast %get3A_741 : vector<1x128xf32> to vector<128xf32>
    %broadcast_in_dim3A_743 = vector.shape_cast %get3A_742 : vector<128xf32> to vector<1x128xf32>
    %add3A_744 = vector.broadcast %get3A_8 : vector<512x1xf32> to vector<512x128xf32>
    %add3A_745 = vector.broadcast %broadcast_in_dim3A_743 : vector<1x128xf32> to vector<512x128xf32>
    %add3A_746 = arith.addf %add3A_744, %add3A_745 : vector<512x128xf32>
    %sub3A_747 = arith.subf %add3A_746, %dot_general3A_738 : vector<512x128xf32>
    %get3A_748 = arith.constant 0 : index
    %get3A_749 = arith.constant 4992 : index
    %get3A_750 = vector.load %arg8[%get3A_748, %get3A_749] : memref<32x8192xf32, #tpu.memory_space<vmem>>, vector<32x128xf32>
    %dot_general3A_751 = arith.constant dense<0.000000e+00> : vector<512x128xf32>
    %dot_general3A_752 = tpu.matmul %get3A_5, %get3A_750, %dot_general3A_751 {dimension_numbers = #tpu.dot_dimension_numbers<[0], [0], [1], [1], [0, 1, 1, 1], [], []>, transpose_lhs_hint = false} : vector<32x512xf32>, vector<32x128xf32>, vector<512x128xf32> -> vector<512x128xf32>
    %get3A_753 = arith.constant 0 : index
    %get3A_754 = arith.constant 4992 : index
    %get3A_755 = vector.load %arg4[%get3A_753, %get3A_754] : memref<1x8192xf32, #tpu.memory_space<vmem>>, vector<1x128xf32>
    %get3A_756 = vector.shape_cast %get3A_755 : vector<1x128xf32> to vector<128xf32>
    %broadcast_in_dim3A_757 = vector.shape_cast %get3A_756 : vector<128xf32> to vector<1x128xf32>
    %add3A_758 = vector.broadcast %get3A_8 : vector<512x1xf32> to vector<512x128xf32>
    %add3A_759 = vector.broadcast %broadcast_in_dim3A_757 : vector<1x128xf32> to vector<512x128xf32>
    %add3A_760 = arith.addf %add3A_758, %add3A_759 : vector<512x128xf32>
    %sub3A_761 = arith.subf %add3A_760, %dot_general3A_752 : vector<512x128xf32>
    %lt3A_762 = arith.cmpf olt, %sub3A_733, %sub3A_719 : vector<512x128xf32>
    %min3A_763 = arith.minimumf %sub3A_719, %sub3A_733 : vector<512x128xf32>
    %jit3A_764 = arith.constant 1 : i32
    %jit3A_765 = arith.constant 0 : i32
    %broadcast_in_dim3A_766 = vector.broadcast %jit3A_764 : i32 to vector<512x128xi32>
    %broadcast_in_dim3A_767 = vector.broadcast %jit3A_765 : i32 to vector<512x128xi32>
    %select_n3A_768 = arith.select %lt3A_762, %broadcast_in_dim3A_766, %broadcast_in_dim3A_767 : vector<512x128xi1>, vector<512x128xi32>
    %lt3A_769 = arith.cmpf olt, %sub3A_761, %sub3A_747 : vector<512x128xf32>
    %min3A_770 = arith.minimumf %sub3A_747, %sub3A_761 : vector<512x128xf32>
    %jit3A_771 = arith.constant 3 : i32
    %jit3A_772 = arith.constant 2 : i32
    %broadcast_in_dim3A_773 = vector.broadcast %jit3A_771 : i32 to vector<512x128xi32>
    %broadcast_in_dim3A_774 = vector.broadcast %jit3A_772 : i32 to vector<512x128xi32>
    %select_n3A_775 = arith.select %lt3A_769, %broadcast_in_dim3A_773, %broadcast_in_dim3A_774 : vector<512x128xi1>, vector<512x128xi32>
    %lt3A_776 = arith.cmpf olt, %min3A_770, %min3A_763 : vector<512x128xf32>
    %min3A_777 = arith.minimumf %min3A_763, %min3A_770 : vector<512x128xf32>
    %select_n3A_778 = arith.select %lt3A_776, %select_n3A_775, %select_n3A_768 : vector<512x128xi1>, vector<512x128xi32>
    %lt3A_779 = arith.cmpf olt, %min3A_777, %min3A_701 : vector<512x128xf32>
    %min3A_780 = arith.minimumf %min3A_701, %min3A_777 : vector<512x128xf32>
    %add3A_781 = arith.constant 36 : i32
    %add3A_782 = vector.broadcast %add3A_781 : i32 to vector<512x128xi32>
    %add3A_783 = arith.addi %select_n3A_778, %add3A_782 : vector<512x128xi32>
    %select_n3A_784 = arith.select %lt3A_779, %add3A_783, %select_n3A_705 : vector<512x128xi1>, vector<512x128xi32>
    %get3A_785 = arith.constant 0 : index
    %get3A_786 = arith.constant 5120 : index
    %get3A_787 = vector.load %arg8[%get3A_785, %get3A_786] : memref<32x8192xf32, #tpu.memory_space<vmem>>, vector<32x128xf32>
    %dot_general3A_788 = arith.constant dense<0.000000e+00> : vector<512x128xf32>
    %dot_general3A_789 = tpu.matmul %get3A_5, %get3A_787, %dot_general3A_788 {dimension_numbers = #tpu.dot_dimension_numbers<[0], [0], [1], [1], [0, 1, 1, 1], [], []>, transpose_lhs_hint = false} : vector<32x512xf32>, vector<32x128xf32>, vector<512x128xf32> -> vector<512x128xf32>
    %get3A_790 = arith.constant 0 : index
    %get3A_791 = arith.constant 5120 : index
    %get3A_792 = vector.load %arg4[%get3A_790, %get3A_791] : memref<1x8192xf32, #tpu.memory_space<vmem>>, vector<1x128xf32>
    %get3A_793 = vector.shape_cast %get3A_792 : vector<1x128xf32> to vector<128xf32>
    %broadcast_in_dim3A_794 = vector.shape_cast %get3A_793 : vector<128xf32> to vector<1x128xf32>
    %add3A_795 = vector.broadcast %get3A_8 : vector<512x1xf32> to vector<512x128xf32>
    %add3A_796 = vector.broadcast %broadcast_in_dim3A_794 : vector<1x128xf32> to vector<512x128xf32>
    %add3A_797 = arith.addf %add3A_795, %add3A_796 : vector<512x128xf32>
    %sub3A_798 = arith.subf %add3A_797, %dot_general3A_789 : vector<512x128xf32>
    %get3A_799 = arith.constant 0 : index
    %get3A_800 = arith.constant 5248 : index
    %get3A_801 = vector.load %arg8[%get3A_799, %get3A_800] : memref<32x8192xf32, #tpu.memory_space<vmem>>, vector<32x128xf32>
    %dot_general3A_802 = arith.constant dense<0.000000e+00> : vector<512x128xf32>
    %dot_general3A_803 = tpu.matmul %get3A_5, %get3A_801, %dot_general3A_802 {dimension_numbers = #tpu.dot_dimension_numbers<[0], [0], [1], [1], [0, 1, 1, 1], [], []>, transpose_lhs_hint = false} : vector<32x512xf32>, vector<32x128xf32>, vector<512x128xf32> -> vector<512x128xf32>
    %get3A_804 = arith.constant 0 : index
    %get3A_805 = arith.constant 5248 : index
    %get3A_806 = vector.load %arg4[%get3A_804, %get3A_805] : memref<1x8192xf32, #tpu.memory_space<vmem>>, vector<1x128xf32>
    %get3A_807 = vector.shape_cast %get3A_806 : vector<1x128xf32> to vector<128xf32>
    %broadcast_in_dim3A_808 = vector.shape_cast %get3A_807 : vector<128xf32> to vector<1x128xf32>
    %add3A_809 = vector.broadcast %get3A_8 : vector<512x1xf32> to vector<512x128xf32>
    %add3A_810 = vector.broadcast %broadcast_in_dim3A_808 : vector<1x128xf32> to vector<512x128xf32>
    %add3A_811 = arith.addf %add3A_809, %add3A_810 : vector<512x128xf32>
    %sub3A_812 = arith.subf %add3A_811, %dot_general3A_803 : vector<512x128xf32>
    %get3A_813 = arith.constant 0 : index
    %get3A_814 = arith.constant 5376 : index
    %get3A_815 = vector.load %arg8[%get3A_813, %get3A_814] : memref<32x8192xf32, #tpu.memory_space<vmem>>, vector<32x128xf32>
    %dot_general3A_816 = arith.constant dense<0.000000e+00> : vector<512x128xf32>
    %dot_general3A_817 = tpu.matmul %get3A_5, %get3A_815, %dot_general3A_816 {dimension_numbers = #tpu.dot_dimension_numbers<[0], [0], [1], [1], [0, 1, 1, 1], [], []>, transpose_lhs_hint = false} : vector<32x512xf32>, vector<32x128xf32>, vector<512x128xf32> -> vector<512x128xf32>
    %get3A_818 = arith.constant 0 : index
    %get3A_819 = arith.constant 5376 : index
    %get3A_820 = vector.load %arg4[%get3A_818, %get3A_819] : memref<1x8192xf32, #tpu.memory_space<vmem>>, vector<1x128xf32>
    %get3A_821 = vector.shape_cast %get3A_820 : vector<1x128xf32> to vector<128xf32>
    %broadcast_in_dim3A_822 = vector.shape_cast %get3A_821 : vector<128xf32> to vector<1x128xf32>
    %add3A_823 = vector.broadcast %get3A_8 : vector<512x1xf32> to vector<512x128xf32>
    %add3A_824 = vector.broadcast %broadcast_in_dim3A_822 : vector<1x128xf32> to vector<512x128xf32>
    %add3A_825 = arith.addf %add3A_823, %add3A_824 : vector<512x128xf32>
    %sub3A_826 = arith.subf %add3A_825, %dot_general3A_817 : vector<512x128xf32>
    %get3A_827 = arith.constant 0 : index
    %get3A_828 = arith.constant 5504 : index
    %get3A_829 = vector.load %arg8[%get3A_827, %get3A_828] : memref<32x8192xf32, #tpu.memory_space<vmem>>, vector<32x128xf32>
    %dot_general3A_830 = arith.constant dense<0.000000e+00> : vector<512x128xf32>
    %dot_general3A_831 = tpu.matmul %get3A_5, %get3A_829, %dot_general3A_830 {dimension_numbers = #tpu.dot_dimension_numbers<[0], [0], [1], [1], [0, 1, 1, 1], [], []>, transpose_lhs_hint = false} : vector<32x512xf32>, vector<32x128xf32>, vector<512x128xf32> -> vector<512x128xf32>
    %get3A_832 = arith.constant 0 : index
    %get3A_833 = arith.constant 5504 : index
    %get3A_834 = vector.load %arg4[%get3A_832, %get3A_833] : memref<1x8192xf32, #tpu.memory_space<vmem>>, vector<1x128xf32>
    %get3A_835 = vector.shape_cast %get3A_834 : vector<1x128xf32> to vector<128xf32>
    %broadcast_in_dim3A_836 = vector.shape_cast %get3A_835 : vector<128xf32> to vector<1x128xf32>
    %add3A_837 = vector.broadcast %get3A_8 : vector<512x1xf32> to vector<512x128xf32>
    %add3A_838 = vector.broadcast %broadcast_in_dim3A_836 : vector<1x128xf32> to vector<512x128xf32>
    %add3A_839 = arith.addf %add3A_837, %add3A_838 : vector<512x128xf32>
    %sub3A_840 = arith.subf %add3A_839, %dot_general3A_831 : vector<512x128xf32>
    %lt3A_841 = arith.cmpf olt, %sub3A_812, %sub3A_798 : vector<512x128xf32>
    %min3A_842 = arith.minimumf %sub3A_798, %sub3A_812 : vector<512x128xf32>
    %jit3A_843 = arith.constant 1 : i32
    %jit3A_844 = arith.constant 0 : i32
    %broadcast_in_dim3A_845 = vector.broadcast %jit3A_843 : i32 to vector<512x128xi32>
    %broadcast_in_dim3A_846 = vector.broadcast %jit3A_844 : i32 to vector<512x128xi32>
    %select_n3A_847 = arith.select %lt3A_841, %broadcast_in_dim3A_845, %broadcast_in_dim3A_846 : vector<512x128xi1>, vector<512x128xi32>
    %lt3A_848 = arith.cmpf olt, %sub3A_840, %sub3A_826 : vector<512x128xf32>
    %min3A_849 = arith.minimumf %sub3A_826, %sub3A_840 : vector<512x128xf32>
    %jit3A_850 = arith.constant 3 : i32
    %jit3A_851 = arith.constant 2 : i32
    %broadcast_in_dim3A_852 = vector.broadcast %jit3A_850 : i32 to vector<512x128xi32>
    %broadcast_in_dim3A_853 = vector.broadcast %jit3A_851 : i32 to vector<512x128xi32>
    %select_n3A_854 = arith.select %lt3A_848, %broadcast_in_dim3A_852, %broadcast_in_dim3A_853 : vector<512x128xi1>, vector<512x128xi32>
    %lt3A_855 = arith.cmpf olt, %min3A_849, %min3A_842 : vector<512x128xf32>
    %min3A_856 = arith.minimumf %min3A_842, %min3A_849 : vector<512x128xf32>
    %select_n3A_857 = arith.select %lt3A_855, %select_n3A_854, %select_n3A_847 : vector<512x128xi1>, vector<512x128xi32>
    %lt3A_858 = arith.cmpf olt, %min3A_856, %min3A_780 : vector<512x128xf32>
    %min3A_859 = arith.minimumf %min3A_780, %min3A_856 : vector<512x128xf32>
    %add3A_860 = arith.constant 40 : i32
    %add3A_861 = vector.broadcast %add3A_860 : i32 to vector<512x128xi32>
    %add3A_862 = arith.addi %select_n3A_857, %add3A_861 : vector<512x128xi32>
    %select_n3A_863 = arith.select %lt3A_858, %add3A_862, %select_n3A_784 : vector<512x128xi1>, vector<512x128xi32>
    %get3A_864 = arith.constant 0 : index
    %get3A_865 = arith.constant 5632 : index
    %get3A_866 = vector.load %arg8[%get3A_864, %get3A_865] : memref<32x8192xf32, #tpu.memory_space<vmem>>, vector<32x128xf32>
    %dot_general3A_867 = arith.constant dense<0.000000e+00> : vector<512x128xf32>
    %dot_general3A_868 = tpu.matmul %get3A_5, %get3A_866, %dot_general3A_867 {dimension_numbers = #tpu.dot_dimension_numbers<[0], [0], [1], [1], [0, 1, 1, 1], [], []>, transpose_lhs_hint = false} : vector<32x512xf32>, vector<32x128xf32>, vector<512x128xf32> -> vector<512x128xf32>
    %get3A_869 = arith.constant 0 : index
    %get3A_870 = arith.constant 5632 : index
    %get3A_871 = vector.load %arg4[%get3A_869, %get3A_870] : memref<1x8192xf32, #tpu.memory_space<vmem>>, vector<1x128xf32>
    %get3A_872 = vector.shape_cast %get3A_871 : vector<1x128xf32> to vector<128xf32>
    %broadcast_in_dim3A_873 = vector.shape_cast %get3A_872 : vector<128xf32> to vector<1x128xf32>
    %add3A_874 = vector.broadcast %get3A_8 : vector<512x1xf32> to vector<512x128xf32>
    %add3A_875 = vector.broadcast %broadcast_in_dim3A_873 : vector<1x128xf32> to vector<512x128xf32>
    %add3A_876 = arith.addf %add3A_874, %add3A_875 : vector<512x128xf32>
    %sub3A_877 = arith.subf %add3A_876, %dot_general3A_868 : vector<512x128xf32>
    %get3A_878 = arith.constant 0 : index
    %get3A_879 = arith.constant 5760 : index
    %get3A_880 = vector.load %arg8[%get3A_878, %get3A_879] : memref<32x8192xf32, #tpu.memory_space<vmem>>, vector<32x128xf32>
    %dot_general3A_881 = arith.constant dense<0.000000e+00> : vector<512x128xf32>
    %dot_general3A_882 = tpu.matmul %get3A_5, %get3A_880, %dot_general3A_881 {dimension_numbers = #tpu.dot_dimension_numbers<[0], [0], [1], [1], [0, 1, 1, 1], [], []>, transpose_lhs_hint = false} : vector<32x512xf32>, vector<32x128xf32>, vector<512x128xf32> -> vector<512x128xf32>
    %get3A_883 = arith.constant 0 : index
    %get3A_884 = arith.constant 5760 : index
    %get3A_885 = vector.load %arg4[%get3A_883, %get3A_884] : memref<1x8192xf32, #tpu.memory_space<vmem>>, vector<1x128xf32>
    %get3A_886 = vector.shape_cast %get3A_885 : vector<1x128xf32> to vector<128xf32>
    %broadcast_in_dim3A_887 = vector.shape_cast %get3A_886 : vector<128xf32> to vector<1x128xf32>
    %add3A_888 = vector.broadcast %get3A_8 : vector<512x1xf32> to vector<512x128xf32>
    %add3A_889 = vector.broadcast %broadcast_in_dim3A_887 : vector<1x128xf32> to vector<512x128xf32>
    %add3A_890 = arith.addf %add3A_888, %add3A_889 : vector<512x128xf32>
    %sub3A_891 = arith.subf %add3A_890, %dot_general3A_882 : vector<512x128xf32>
    %get3A_892 = arith.constant 0 : index
    %get3A_893 = arith.constant 5888 : index
    %get3A_894 = vector.load %arg8[%get3A_892, %get3A_893] : memref<32x8192xf32, #tpu.memory_space<vmem>>, vector<32x128xf32>
    %dot_general3A_895 = arith.constant dense<0.000000e+00> : vector<512x128xf32>
    %dot_general3A_896 = tpu.matmul %get3A_5, %get3A_894, %dot_general3A_895 {dimension_numbers = #tpu.dot_dimension_numbers<[0], [0], [1], [1], [0, 1, 1, 1], [], []>, transpose_lhs_hint = false} : vector<32x512xf32>, vector<32x128xf32>, vector<512x128xf32> -> vector<512x128xf32>
    %get3A_897 = arith.constant 0 : index
    %get3A_898 = arith.constant 5888 : index
    %get3A_899 = vector.load %arg4[%get3A_897, %get3A_898] : memref<1x8192xf32, #tpu.memory_space<vmem>>, vector<1x128xf32>
    %get3A_900 = vector.shape_cast %get3A_899 : vector<1x128xf32> to vector<128xf32>
    %broadcast_in_dim3A_901 = vector.shape_cast %get3A_900 : vector<128xf32> to vector<1x128xf32>
    %add3A_902 = vector.broadcast %get3A_8 : vector<512x1xf32> to vector<512x128xf32>
    %add3A_903 = vector.broadcast %broadcast_in_dim3A_901 : vector<1x128xf32> to vector<512x128xf32>
    %add3A_904 = arith.addf %add3A_902, %add3A_903 : vector<512x128xf32>
    %sub3A_905 = arith.subf %add3A_904, %dot_general3A_896 : vector<512x128xf32>
    %get3A_906 = arith.constant 0 : index
    %get3A_907 = arith.constant 6016 : index
    %get3A_908 = vector.load %arg8[%get3A_906, %get3A_907] : memref<32x8192xf32, #tpu.memory_space<vmem>>, vector<32x128xf32>
    %dot_general3A_909 = arith.constant dense<0.000000e+00> : vector<512x128xf32>
    %dot_general3A_910 = tpu.matmul %get3A_5, %get3A_908, %dot_general3A_909 {dimension_numbers = #tpu.dot_dimension_numbers<[0], [0], [1], [1], [0, 1, 1, 1], [], []>, transpose_lhs_hint = false} : vector<32x512xf32>, vector<32x128xf32>, vector<512x128xf32> -> vector<512x128xf32>
    %get3A_911 = arith.constant 0 : index
    %get3A_912 = arith.constant 6016 : index
    %get3A_913 = vector.load %arg4[%get3A_911, %get3A_912] : memref<1x8192xf32, #tpu.memory_space<vmem>>, vector<1x128xf32>
    %get3A_914 = vector.shape_cast %get3A_913 : vector<1x128xf32> to vector<128xf32>
    %broadcast_in_dim3A_915 = vector.shape_cast %get3A_914 : vector<128xf32> to vector<1x128xf32>
    %add3A_916 = vector.broadcast %get3A_8 : vector<512x1xf32> to vector<512x128xf32>
    %add3A_917 = vector.broadcast %broadcast_in_dim3A_915 : vector<1x128xf32> to vector<512x128xf32>
    %add3A_918 = arith.addf %add3A_916, %add3A_917 : vector<512x128xf32>
    %sub3A_919 = arith.subf %add3A_918, %dot_general3A_910 : vector<512x128xf32>
    %lt3A_920 = arith.cmpf olt, %sub3A_891, %sub3A_877 : vector<512x128xf32>
    %min3A_921 = arith.minimumf %sub3A_877, %sub3A_891 : vector<512x128xf32>
    %jit3A_922 = arith.constant 1 : i32
    %jit3A_923 = arith.constant 0 : i32
    %broadcast_in_dim3A_924 = vector.broadcast %jit3A_922 : i32 to vector<512x128xi32>
    %broadcast_in_dim3A_925 = vector.broadcast %jit3A_923 : i32 to vector<512x128xi32>
    %select_n3A_926 = arith.select %lt3A_920, %broadcast_in_dim3A_924, %broadcast_in_dim3A_925 : vector<512x128xi1>, vector<512x128xi32>
    %lt3A_927 = arith.cmpf olt, %sub3A_919, %sub3A_905 : vector<512x128xf32>
    %min3A_928 = arith.minimumf %sub3A_905, %sub3A_919 : vector<512x128xf32>
    %jit3A_929 = arith.constant 3 : i32
    %jit3A_930 = arith.constant 2 : i32
    %broadcast_in_dim3A_931 = vector.broadcast %jit3A_929 : i32 to vector<512x128xi32>
    %broadcast_in_dim3A_932 = vector.broadcast %jit3A_930 : i32 to vector<512x128xi32>
    %select_n3A_933 = arith.select %lt3A_927, %broadcast_in_dim3A_931, %broadcast_in_dim3A_932 : vector<512x128xi1>, vector<512x128xi32>
    %lt3A_934 = arith.cmpf olt, %min3A_928, %min3A_921 : vector<512x128xf32>
    %min3A_935 = arith.minimumf %min3A_921, %min3A_928 : vector<512x128xf32>
    %select_n3A_936 = arith.select %lt3A_934, %select_n3A_933, %select_n3A_926 : vector<512x128xi1>, vector<512x128xi32>
    %lt3A_937 = arith.cmpf olt, %min3A_935, %min3A_859 : vector<512x128xf32>
    %min3A_938 = arith.minimumf %min3A_859, %min3A_935 : vector<512x128xf32>
    %add3A_939 = arith.constant 44 : i32
    %add3A_940 = vector.broadcast %add3A_939 : i32 to vector<512x128xi32>
    %add3A_941 = arith.addi %select_n3A_936, %add3A_940 : vector<512x128xi32>
    %select_n3A_942 = arith.select %lt3A_937, %add3A_941, %select_n3A_863 : vector<512x128xi1>, vector<512x128xi32>
    %get3A_943 = arith.constant 0 : index
    %get3A_944 = arith.constant 6144 : index
    %get3A_945 = vector.load %arg8[%get3A_943, %get3A_944] : memref<32x8192xf32, #tpu.memory_space<vmem>>, vector<32x128xf32>
    %dot_general3A_946 = arith.constant dense<0.000000e+00> : vector<512x128xf32>
    %dot_general3A_947 = tpu.matmul %get3A_5, %get3A_945, %dot_general3A_946 {dimension_numbers = #tpu.dot_dimension_numbers<[0], [0], [1], [1], [0, 1, 1, 1], [], []>, transpose_lhs_hint = false} : vector<32x512xf32>, vector<32x128xf32>, vector<512x128xf32> -> vector<512x128xf32>
    %get3A_948 = arith.constant 0 : index
    %get3A_949 = arith.constant 6144 : index
    %get3A_950 = vector.load %arg4[%get3A_948, %get3A_949] : memref<1x8192xf32, #tpu.memory_space<vmem>>, vector<1x128xf32>
    %get3A_951 = vector.shape_cast %get3A_950 : vector<1x128xf32> to vector<128xf32>
    %broadcast_in_dim3A_952 = vector.shape_cast %get3A_951 : vector<128xf32> to vector<1x128xf32>
    %add3A_953 = vector.broadcast %get3A_8 : vector<512x1xf32> to vector<512x128xf32>
    %add3A_954 = vector.broadcast %broadcast_in_dim3A_952 : vector<1x128xf32> to vector<512x128xf32>
    %add3A_955 = arith.addf %add3A_953, %add3A_954 : vector<512x128xf32>
    %sub3A_956 = arith.subf %add3A_955, %dot_general3A_947 : vector<512x128xf32>
    %get3A_957 = arith.constant 0 : index
    %get3A_958 = arith.constant 6272 : index
    %get3A_959 = vector.load %arg8[%get3A_957, %get3A_958] : memref<32x8192xf32, #tpu.memory_space<vmem>>, vector<32x128xf32>
    %dot_general3A_960 = arith.constant dense<0.000000e+00> : vector<512x128xf32>
    %dot_general3A_961 = tpu.matmul %get3A_5, %get3A_959, %dot_general3A_960 {dimension_numbers = #tpu.dot_dimension_numbers<[0], [0], [1], [1], [0, 1, 1, 1], [], []>, transpose_lhs_hint = false} : vector<32x512xf32>, vector<32x128xf32>, vector<512x128xf32> -> vector<512x128xf32>
    %get3A_962 = arith.constant 0 : index
    %get3A_963 = arith.constant 6272 : index
    %get3A_964 = vector.load %arg4[%get3A_962, %get3A_963] : memref<1x8192xf32, #tpu.memory_space<vmem>>, vector<1x128xf32>
    %get3A_965 = vector.shape_cast %get3A_964 : vector<1x128xf32> to vector<128xf32>
    %broadcast_in_dim3A_966 = vector.shape_cast %get3A_965 : vector<128xf32> to vector<1x128xf32>
    %add3A_967 = vector.broadcast %get3A_8 : vector<512x1xf32> to vector<512x128xf32>
    %add3A_968 = vector.broadcast %broadcast_in_dim3A_966 : vector<1x128xf32> to vector<512x128xf32>
    %add3A_969 = arith.addf %add3A_967, %add3A_968 : vector<512x128xf32>
    %sub3A_970 = arith.subf %add3A_969, %dot_general3A_961 : vector<512x128xf32>
    %get3A_971 = arith.constant 0 : index
    %get3A_972 = arith.constant 6400 : index
    %get3A_973 = vector.load %arg8[%get3A_971, %get3A_972] : memref<32x8192xf32, #tpu.memory_space<vmem>>, vector<32x128xf32>
    %dot_general3A_974 = arith.constant dense<0.000000e+00> : vector<512x128xf32>
    %dot_general3A_975 = tpu.matmul %get3A_5, %get3A_973, %dot_general3A_974 {dimension_numbers = #tpu.dot_dimension_numbers<[0], [0], [1], [1], [0, 1, 1, 1], [], []>, transpose_lhs_hint = false} : vector<32x512xf32>, vector<32x128xf32>, vector<512x128xf32> -> vector<512x128xf32>
    %get3A_976 = arith.constant 0 : index
    %get3A_977 = arith.constant 6400 : index
    %get3A_978 = vector.load %arg4[%get3A_976, %get3A_977] : memref<1x8192xf32, #tpu.memory_space<vmem>>, vector<1x128xf32>
    %get3A_979 = vector.shape_cast %get3A_978 : vector<1x128xf32> to vector<128xf32>
    %broadcast_in_dim3A_980 = vector.shape_cast %get3A_979 : vector<128xf32> to vector<1x128xf32>
    %add3A_981 = vector.broadcast %get3A_8 : vector<512x1xf32> to vector<512x128xf32>
    %add3A_982 = vector.broadcast %broadcast_in_dim3A_980 : vector<1x128xf32> to vector<512x128xf32>
    %add3A_983 = arith.addf %add3A_981, %add3A_982 : vector<512x128xf32>
    %sub3A_984 = arith.subf %add3A_983, %dot_general3A_975 : vector<512x128xf32>
    %get3A_985 = arith.constant 0 : index
    %get3A_986 = arith.constant 6528 : index
    %get3A_987 = vector.load %arg8[%get3A_985, %get3A_986] : memref<32x8192xf32, #tpu.memory_space<vmem>>, vector<32x128xf32>
    %dot_general3A_988 = arith.constant dense<0.000000e+00> : vector<512x128xf32>
    %dot_general3A_989 = tpu.matmul %get3A_5, %get3A_987, %dot_general3A_988 {dimension_numbers = #tpu.dot_dimension_numbers<[0], [0], [1], [1], [0, 1, 1, 1], [], []>, transpose_lhs_hint = false} : vector<32x512xf32>, vector<32x128xf32>, vector<512x128xf32> -> vector<512x128xf32>
    %get3A_990 = arith.constant 0 : index
    %get3A_991 = arith.constant 6528 : index
    %get3A_992 = vector.load %arg4[%get3A_990, %get3A_991] : memref<1x8192xf32, #tpu.memory_space<vmem>>, vector<1x128xf32>
    %get3A_993 = vector.shape_cast %get3A_992 : vector<1x128xf32> to vector<128xf32>
    %broadcast_in_dim3A_994 = vector.shape_cast %get3A_993 : vector<128xf32> to vector<1x128xf32>
    %add3A_995 = vector.broadcast %get3A_8 : vector<512x1xf32> to vector<512x128xf32>
    %add3A_996 = vector.broadcast %broadcast_in_dim3A_994 : vector<1x128xf32> to vector<512x128xf32>
    %add3A_997 = arith.addf %add3A_995, %add3A_996 : vector<512x128xf32>
    %sub3A_998 = arith.subf %add3A_997, %dot_general3A_989 : vector<512x128xf32>
    %lt3A_999 = arith.cmpf olt, %sub3A_970, %sub3A_956 : vector<512x128xf32>
    %min3A_1000 = arith.minimumf %sub3A_956, %sub3A_970 : vector<512x128xf32>
    %jit3A_1001 = arith.constant 1 : i32
    %jit3A_1002 = arith.constant 0 : i32
    %broadcast_in_dim3A_1003 = vector.broadcast %jit3A_1001 : i32 to vector<512x128xi32>
    %broadcast_in_dim3A_1004 = vector.broadcast %jit3A_1002 : i32 to vector<512x128xi32>
    %select_n3A_1005 = arith.select %lt3A_999, %broadcast_in_dim3A_1003, %broadcast_in_dim3A_1004 : vector<512x128xi1>, vector<512x128xi32>
    %lt3A_1006 = arith.cmpf olt, %sub3A_998, %sub3A_984 : vector<512x128xf32>
    %min3A_1007 = arith.minimumf %sub3A_984, %sub3A_998 : vector<512x128xf32>
    %jit3A_1008 = arith.constant 3 : i32
    %jit3A_1009 = arith.constant 2 : i32
    %broadcast_in_dim3A_1010 = vector.broadcast %jit3A_1008 : i32 to vector<512x128xi32>
    %broadcast_in_dim3A_1011 = vector.broadcast %jit3A_1009 : i32 to vector<512x128xi32>
    %select_n3A_1012 = arith.select %lt3A_1006, %broadcast_in_dim3A_1010, %broadcast_in_dim3A_1011 : vector<512x128xi1>, vector<512x128xi32>
    %lt3A_1013 = arith.cmpf olt, %min3A_1007, %min3A_1000 : vector<512x128xf32>
    %min3A_1014 = arith.minimumf %min3A_1000, %min3A_1007 : vector<512x128xf32>
    %select_n3A_1015 = arith.select %lt3A_1013, %select_n3A_1012, %select_n3A_1005 : vector<512x128xi1>, vector<512x128xi32>
    %lt3A_1016 = arith.cmpf olt, %min3A_1014, %min3A_938 : vector<512x128xf32>
    %min3A_1017 = arith.minimumf %min3A_938, %min3A_1014 : vector<512x128xf32>
    %add3A_1018 = arith.constant 48 : i32
    %add3A_1019 = vector.broadcast %add3A_1018 : i32 to vector<512x128xi32>
    %add3A_1020 = arith.addi %select_n3A_1015, %add3A_1019 : vector<512x128xi32>
    %select_n3A_1021 = arith.select %lt3A_1016, %add3A_1020, %select_n3A_942 : vector<512x128xi1>, vector<512x128xi32>
    %get3A_1022 = arith.constant 0 : index
    %get3A_1023 = arith.constant 6656 : index
    %get3A_1024 = vector.load %arg8[%get3A_1022, %get3A_1023] : memref<32x8192xf32, #tpu.memory_space<vmem>>, vector<32x128xf32>
    %dot_general3A_1025 = arith.constant dense<0.000000e+00> : vector<512x128xf32>
    %dot_general3A_1026 = tpu.matmul %get3A_5, %get3A_1024, %dot_general3A_1025 {dimension_numbers = #tpu.dot_dimension_numbers<[0], [0], [1], [1], [0, 1, 1, 1], [], []>, transpose_lhs_hint = false} : vector<32x512xf32>, vector<32x128xf32>, vector<512x128xf32> -> vector<512x128xf32>
    %get3A_1027 = arith.constant 0 : index
    %get3A_1028 = arith.constant 6656 : index
    %get3A_1029 = vector.load %arg4[%get3A_1027, %get3A_1028] : memref<1x8192xf32, #tpu.memory_space<vmem>>, vector<1x128xf32>
    %get3A_1030 = vector.shape_cast %get3A_1029 : vector<1x128xf32> to vector<128xf32>
    %broadcast_in_dim3A_1031 = vector.shape_cast %get3A_1030 : vector<128xf32> to vector<1x128xf32>
    %add3A_1032 = vector.broadcast %get3A_8 : vector<512x1xf32> to vector<512x128xf32>
    %add3A_1033 = vector.broadcast %broadcast_in_dim3A_1031 : vector<1x128xf32> to vector<512x128xf32>
    %add3A_1034 = arith.addf %add3A_1032, %add3A_1033 : vector<512x128xf32>
    %sub3A_1035 = arith.subf %add3A_1034, %dot_general3A_1026 : vector<512x128xf32>
    %get3A_1036 = arith.constant 0 : index
    %get3A_1037 = arith.constant 6784 : index
    %get3A_1038 = vector.load %arg8[%get3A_1036, %get3A_1037] : memref<32x8192xf32, #tpu.memory_space<vmem>>, vector<32x128xf32>
    %dot_general3A_1039 = arith.constant dense<0.000000e+00> : vector<512x128xf32>
    %dot_general3A_1040 = tpu.matmul %get3A_5, %get3A_1038, %dot_general3A_1039 {dimension_numbers = #tpu.dot_dimension_numbers<[0], [0], [1], [1], [0, 1, 1, 1], [], []>, transpose_lhs_hint = false} : vector<32x512xf32>, vector<32x128xf32>, vector<512x128xf32> -> vector<512x128xf32>
    %get3A_1041 = arith.constant 0 : index
    %get3A_1042 = arith.constant 6784 : index
    %get3A_1043 = vector.load %arg4[%get3A_1041, %get3A_1042] : memref<1x8192xf32, #tpu.memory_space<vmem>>, vector<1x128xf32>
    %get3A_1044 = vector.shape_cast %get3A_1043 : vector<1x128xf32> to vector<128xf32>
    %broadcast_in_dim3A_1045 = vector.shape_cast %get3A_1044 : vector<128xf32> to vector<1x128xf32>
    %add3A_1046 = vector.broadcast %get3A_8 : vector<512x1xf32> to vector<512x128xf32>
    %add3A_1047 = vector.broadcast %broadcast_in_dim3A_1045 : vector<1x128xf32> to vector<512x128xf32>
    %add3A_1048 = arith.addf %add3A_1046, %add3A_1047 : vector<512x128xf32>
    %sub3A_1049 = arith.subf %add3A_1048, %dot_general3A_1040 : vector<512x128xf32>
    %get3A_1050 = arith.constant 0 : index
    %get3A_1051 = arith.constant 6912 : index
    %get3A_1052 = vector.load %arg8[%get3A_1050, %get3A_1051] : memref<32x8192xf32, #tpu.memory_space<vmem>>, vector<32x128xf32>
    %dot_general3A_1053 = arith.constant dense<0.000000e+00> : vector<512x128xf32>
    %dot_general3A_1054 = tpu.matmul %get3A_5, %get3A_1052, %dot_general3A_1053 {dimension_numbers = #tpu.dot_dimension_numbers<[0], [0], [1], [1], [0, 1, 1, 1], [], []>, transpose_lhs_hint = false} : vector<32x512xf32>, vector<32x128xf32>, vector<512x128xf32> -> vector<512x128xf32>
    %get3A_1055 = arith.constant 0 : index
    %get3A_1056 = arith.constant 6912 : index
    %get3A_1057 = vector.load %arg4[%get3A_1055, %get3A_1056] : memref<1x8192xf32, #tpu.memory_space<vmem>>, vector<1x128xf32>
    %get3A_1058 = vector.shape_cast %get3A_1057 : vector<1x128xf32> to vector<128xf32>
    %broadcast_in_dim3A_1059 = vector.shape_cast %get3A_1058 : vector<128xf32> to vector<1x128xf32>
    %add3A_1060 = vector.broadcast %get3A_8 : vector<512x1xf32> to vector<512x128xf32>
    %add3A_1061 = vector.broadcast %broadcast_in_dim3A_1059 : vector<1x128xf32> to vector<512x128xf32>
    %add3A_1062 = arith.addf %add3A_1060, %add3A_1061 : vector<512x128xf32>
    %sub3A_1063 = arith.subf %add3A_1062, %dot_general3A_1054 : vector<512x128xf32>
    %get3A_1064 = arith.constant 0 : index
    %get3A_1065 = arith.constant 7040 : index
    %get3A_1066 = vector.load %arg8[%get3A_1064, %get3A_1065] : memref<32x8192xf32, #tpu.memory_space<vmem>>, vector<32x128xf32>
    %dot_general3A_1067 = arith.constant dense<0.000000e+00> : vector<512x128xf32>
    %dot_general3A_1068 = tpu.matmul %get3A_5, %get3A_1066, %dot_general3A_1067 {dimension_numbers = #tpu.dot_dimension_numbers<[0], [0], [1], [1], [0, 1, 1, 1], [], []>, transpose_lhs_hint = false} : vector<32x512xf32>, vector<32x128xf32>, vector<512x128xf32> -> vector<512x128xf32>
    %get3A_1069 = arith.constant 0 : index
    %get3A_1070 = arith.constant 7040 : index
    %get3A_1071 = vector.load %arg4[%get3A_1069, %get3A_1070] : memref<1x8192xf32, #tpu.memory_space<vmem>>, vector<1x128xf32>
    %get3A_1072 = vector.shape_cast %get3A_1071 : vector<1x128xf32> to vector<128xf32>
    %broadcast_in_dim3A_1073 = vector.shape_cast %get3A_1072 : vector<128xf32> to vector<1x128xf32>
    %add3A_1074 = vector.broadcast %get3A_8 : vector<512x1xf32> to vector<512x128xf32>
    %add3A_1075 = vector.broadcast %broadcast_in_dim3A_1073 : vector<1x128xf32> to vector<512x128xf32>
    %add3A_1076 = arith.addf %add3A_1074, %add3A_1075 : vector<512x128xf32>
    %sub3A_1077 = arith.subf %add3A_1076, %dot_general3A_1068 : vector<512x128xf32>
    %lt3A_1078 = arith.cmpf olt, %sub3A_1049, %sub3A_1035 : vector<512x128xf32>
    %min3A_1079 = arith.minimumf %sub3A_1035, %sub3A_1049 : vector<512x128xf32>
    %jit3A_1080 = arith.constant 1 : i32
    %jit3A_1081 = arith.constant 0 : i32
    %broadcast_in_dim3A_1082 = vector.broadcast %jit3A_1080 : i32 to vector<512x128xi32>
    %broadcast_in_dim3A_1083 = vector.broadcast %jit3A_1081 : i32 to vector<512x128xi32>
    %select_n3A_1084 = arith.select %lt3A_1078, %broadcast_in_dim3A_1082, %broadcast_in_dim3A_1083 : vector<512x128xi1>, vector<512x128xi32>
    %lt3A_1085 = arith.cmpf olt, %sub3A_1077, %sub3A_1063 : vector<512x128xf32>
    %min3A_1086 = arith.minimumf %sub3A_1063, %sub3A_1077 : vector<512x128xf32>
    %jit3A_1087 = arith.constant 3 : i32
    %jit3A_1088 = arith.constant 2 : i32
    %broadcast_in_dim3A_1089 = vector.broadcast %jit3A_1087 : i32 to vector<512x128xi32>
    %broadcast_in_dim3A_1090 = vector.broadcast %jit3A_1088 : i32 to vector<512x128xi32>
    %select_n3A_1091 = arith.select %lt3A_1085, %broadcast_in_dim3A_1089, %broadcast_in_dim3A_1090 : vector<512x128xi1>, vector<512x128xi32>
    %lt3A_1092 = arith.cmpf olt, %min3A_1086, %min3A_1079 : vector<512x128xf32>
    %min3A_1093 = arith.minimumf %min3A_1079, %min3A_1086 : vector<512x128xf32>
    %select_n3A_1094 = arith.select %lt3A_1092, %select_n3A_1091, %select_n3A_1084 : vector<512x128xi1>, vector<512x128xi32>
    %lt3A_1095 = arith.cmpf olt, %min3A_1093, %min3A_1017 : vector<512x128xf32>
    %min3A_1096 = arith.minimumf %min3A_1017, %min3A_1093 : vector<512x128xf32>
    %add3A_1097 = arith.constant 52 : i32
    %add3A_1098 = vector.broadcast %add3A_1097 : i32 to vector<512x128xi32>
    %add3A_1099 = arith.addi %select_n3A_1094, %add3A_1098 : vector<512x128xi32>
    %select_n3A_1100 = arith.select %lt3A_1095, %add3A_1099, %select_n3A_1021 : vector<512x128xi1>, vector<512x128xi32>
    %get3A_1101 = arith.constant 0 : index
    %get3A_1102 = arith.constant 7168 : index
    %get3A_1103 = vector.load %arg8[%get3A_1101, %get3A_1102] : memref<32x8192xf32, #tpu.memory_space<vmem>>, vector<32x128xf32>
    %dot_general3A_1104 = arith.constant dense<0.000000e+00> : vector<512x128xf32>
    %dot_general3A_1105 = tpu.matmul %get3A_5, %get3A_1103, %dot_general3A_1104 {dimension_numbers = #tpu.dot_dimension_numbers<[0], [0], [1], [1], [0, 1, 1, 1], [], []>, transpose_lhs_hint = false} : vector<32x512xf32>, vector<32x128xf32>, vector<512x128xf32> -> vector<512x128xf32>
    %get3A_1106 = arith.constant 0 : index
    %get3A_1107 = arith.constant 7168 : index
    %get3A_1108 = vector.load %arg4[%get3A_1106, %get3A_1107] : memref<1x8192xf32, #tpu.memory_space<vmem>>, vector<1x128xf32>
    %get3A_1109 = vector.shape_cast %get3A_1108 : vector<1x128xf32> to vector<128xf32>
    %broadcast_in_dim3A_1110 = vector.shape_cast %get3A_1109 : vector<128xf32> to vector<1x128xf32>
    %add3A_1111 = vector.broadcast %get3A_8 : vector<512x1xf32> to vector<512x128xf32>
    %add3A_1112 = vector.broadcast %broadcast_in_dim3A_1110 : vector<1x128xf32> to vector<512x128xf32>
    %add3A_1113 = arith.addf %add3A_1111, %add3A_1112 : vector<512x128xf32>
    %sub3A_1114 = arith.subf %add3A_1113, %dot_general3A_1105 : vector<512x128xf32>
    %get3A_1115 = arith.constant 0 : index
    %get3A_1116 = arith.constant 7296 : index
    %get3A_1117 = vector.load %arg8[%get3A_1115, %get3A_1116] : memref<32x8192xf32, #tpu.memory_space<vmem>>, vector<32x128xf32>
    %dot_general3A_1118 = arith.constant dense<0.000000e+00> : vector<512x128xf32>
    %dot_general3A_1119 = tpu.matmul %get3A_5, %get3A_1117, %dot_general3A_1118 {dimension_numbers = #tpu.dot_dimension_numbers<[0], [0], [1], [1], [0, 1, 1, 1], [], []>, transpose_lhs_hint = false} : vector<32x512xf32>, vector<32x128xf32>, vector<512x128xf32> -> vector<512x128xf32>
    %get3A_1120 = arith.constant 0 : index
    %get3A_1121 = arith.constant 7296 : index
    %get3A_1122 = vector.load %arg4[%get3A_1120, %get3A_1121] : memref<1x8192xf32, #tpu.memory_space<vmem>>, vector<1x128xf32>
    %get3A_1123 = vector.shape_cast %get3A_1122 : vector<1x128xf32> to vector<128xf32>
    %broadcast_in_dim3A_1124 = vector.shape_cast %get3A_1123 : vector<128xf32> to vector<1x128xf32>
    %add3A_1125 = vector.broadcast %get3A_8 : vector<512x1xf32> to vector<512x128xf32>
    %add3A_1126 = vector.broadcast %broadcast_in_dim3A_1124 : vector<1x128xf32> to vector<512x128xf32>
    %add3A_1127 = arith.addf %add3A_1125, %add3A_1126 : vector<512x128xf32>
    %sub3A_1128 = arith.subf %add3A_1127, %dot_general3A_1119 : vector<512x128xf32>
    %get3A_1129 = arith.constant 0 : index
    %get3A_1130 = arith.constant 7424 : index
    %get3A_1131 = vector.load %arg8[%get3A_1129, %get3A_1130] : memref<32x8192xf32, #tpu.memory_space<vmem>>, vector<32x128xf32>
    %dot_general3A_1132 = arith.constant dense<0.000000e+00> : vector<512x128xf32>
    %dot_general3A_1133 = tpu.matmul %get3A_5, %get3A_1131, %dot_general3A_1132 {dimension_numbers = #tpu.dot_dimension_numbers<[0], [0], [1], [1], [0, 1, 1, 1], [], []>, transpose_lhs_hint = false} : vector<32x512xf32>, vector<32x128xf32>, vector<512x128xf32> -> vector<512x128xf32>
    %get3A_1134 = arith.constant 0 : index
    %get3A_1135 = arith.constant 7424 : index
    %get3A_1136 = vector.load %arg4[%get3A_1134, %get3A_1135] : memref<1x8192xf32, #tpu.memory_space<vmem>>, vector<1x128xf32>
    %get3A_1137 = vector.shape_cast %get3A_1136 : vector<1x128xf32> to vector<128xf32>
    %broadcast_in_dim3A_1138 = vector.shape_cast %get3A_1137 : vector<128xf32> to vector<1x128xf32>
    %add3A_1139 = vector.broadcast %get3A_8 : vector<512x1xf32> to vector<512x128xf32>
    %add3A_1140 = vector.broadcast %broadcast_in_dim3A_1138 : vector<1x128xf32> to vector<512x128xf32>
    %add3A_1141 = arith.addf %add3A_1139, %add3A_1140 : vector<512x128xf32>
    %sub3A_1142 = arith.subf %add3A_1141, %dot_general3A_1133 : vector<512x128xf32>
    %get3A_1143 = arith.constant 0 : index
    %get3A_1144 = arith.constant 7552 : index
    %get3A_1145 = vector.load %arg8[%get3A_1143, %get3A_1144] : memref<32x8192xf32, #tpu.memory_space<vmem>>, vector<32x128xf32>
    %dot_general3A_1146 = arith.constant dense<0.000000e+00> : vector<512x128xf32>
    %dot_general3A_1147 = tpu.matmul %get3A_5, %get3A_1145, %dot_general3A_1146 {dimension_numbers = #tpu.dot_dimension_numbers<[0], [0], [1], [1], [0, 1, 1, 1], [], []>, transpose_lhs_hint = false} : vector<32x512xf32>, vector<32x128xf32>, vector<512x128xf32> -> vector<512x128xf32>
    %get3A_1148 = arith.constant 0 : index
    %get3A_1149 = arith.constant 7552 : index
    %get3A_1150 = vector.load %arg4[%get3A_1148, %get3A_1149] : memref<1x8192xf32, #tpu.memory_space<vmem>>, vector<1x128xf32>
    %get3A_1151 = vector.shape_cast %get3A_1150 : vector<1x128xf32> to vector<128xf32>
    %broadcast_in_dim3A_1152 = vector.shape_cast %get3A_1151 : vector<128xf32> to vector<1x128xf32>
    %add3A_1153 = vector.broadcast %get3A_8 : vector<512x1xf32> to vector<512x128xf32>
    %add3A_1154 = vector.broadcast %broadcast_in_dim3A_1152 : vector<1x128xf32> to vector<512x128xf32>
    %add3A_1155 = arith.addf %add3A_1153, %add3A_1154 : vector<512x128xf32>
    %sub3A_1156 = arith.subf %add3A_1155, %dot_general3A_1147 : vector<512x128xf32>
    %lt3A_1157 = arith.cmpf olt, %sub3A_1128, %sub3A_1114 : vector<512x128xf32>
    %min3A_1158 = arith.minimumf %sub3A_1114, %sub3A_1128 : vector<512x128xf32>
    %jit3A_1159 = arith.constant 1 : i32
    %jit3A_1160 = arith.constant 0 : i32
    %broadcast_in_dim3A_1161 = vector.broadcast %jit3A_1159 : i32 to vector<512x128xi32>
    %broadcast_in_dim3A_1162 = vector.broadcast %jit3A_1160 : i32 to vector<512x128xi32>
    %select_n3A_1163 = arith.select %lt3A_1157, %broadcast_in_dim3A_1161, %broadcast_in_dim3A_1162 : vector<512x128xi1>, vector<512x128xi32>
    %lt3A_1164 = arith.cmpf olt, %sub3A_1156, %sub3A_1142 : vector<512x128xf32>
    %min3A_1165 = arith.minimumf %sub3A_1142, %sub3A_1156 : vector<512x128xf32>
    %jit3A_1166 = arith.constant 3 : i32
    %jit3A_1167 = arith.constant 2 : i32
    %broadcast_in_dim3A_1168 = vector.broadcast %jit3A_1166 : i32 to vector<512x128xi32>
    %broadcast_in_dim3A_1169 = vector.broadcast %jit3A_1167 : i32 to vector<512x128xi32>
    %select_n3A_1170 = arith.select %lt3A_1164, %broadcast_in_dim3A_1168, %broadcast_in_dim3A_1169 : vector<512x128xi1>, vector<512x128xi32>
    %lt3A_1171 = arith.cmpf olt, %min3A_1165, %min3A_1158 : vector<512x128xf32>
    %min3A_1172 = arith.minimumf %min3A_1158, %min3A_1165 : vector<512x128xf32>
    %select_n3A_1173 = arith.select %lt3A_1171, %select_n3A_1170, %select_n3A_1163 : vector<512x128xi1>, vector<512x128xi32>
    %lt3A_1174 = arith.cmpf olt, %min3A_1172, %min3A_1096 : vector<512x128xf32>
    %min3A_1175 = arith.minimumf %min3A_1096, %min3A_1172 : vector<512x128xf32>
    %add3A_1176 = arith.constant 56 : i32
    %add3A_1177 = vector.broadcast %add3A_1176 : i32 to vector<512x128xi32>
    %add3A_1178 = arith.addi %select_n3A_1173, %add3A_1177 : vector<512x128xi32>
    %select_n3A_1179 = arith.select %lt3A_1174, %add3A_1178, %select_n3A_1100 : vector<512x128xi1>, vector<512x128xi32>
    %get3A_1180 = arith.constant 0 : index
    %get3A_1181 = arith.constant 7680 : index
    %get3A_1182 = vector.load %arg8[%get3A_1180, %get3A_1181] : memref<32x8192xf32, #tpu.memory_space<vmem>>, vector<32x128xf32>
    %dot_general3A_1183 = arith.constant dense<0.000000e+00> : vector<512x128xf32>
    %dot_general3A_1184 = tpu.matmul %get3A_5, %get3A_1182, %dot_general3A_1183 {dimension_numbers = #tpu.dot_dimension_numbers<[0], [0], [1], [1], [0, 1, 1, 1], [], []>, transpose_lhs_hint = false} : vector<32x512xf32>, vector<32x128xf32>, vector<512x128xf32> -> vector<512x128xf32>
    %get3A_1185 = arith.constant 0 : index
    %get3A_1186 = arith.constant 7680 : index
    %get3A_1187 = vector.load %arg4[%get3A_1185, %get3A_1186] : memref<1x8192xf32, #tpu.memory_space<vmem>>, vector<1x128xf32>
    %get3A_1188 = vector.shape_cast %get3A_1187 : vector<1x128xf32> to vector<128xf32>
    %broadcast_in_dim3A_1189 = vector.shape_cast %get3A_1188 : vector<128xf32> to vector<1x128xf32>
    %add3A_1190 = vector.broadcast %get3A_8 : vector<512x1xf32> to vector<512x128xf32>
    %add3A_1191 = vector.broadcast %broadcast_in_dim3A_1189 : vector<1x128xf32> to vector<512x128xf32>
    %add3A_1192 = arith.addf %add3A_1190, %add3A_1191 : vector<512x128xf32>
    %sub3A_1193 = arith.subf %add3A_1192, %dot_general3A_1184 : vector<512x128xf32>
    %get3A_1194 = arith.constant 0 : index
    %get3A_1195 = arith.constant 7808 : index
    %get3A_1196 = vector.load %arg8[%get3A_1194, %get3A_1195] : memref<32x8192xf32, #tpu.memory_space<vmem>>, vector<32x128xf32>
    %dot_general3A_1197 = arith.constant dense<0.000000e+00> : vector<512x128xf32>
    %dot_general3A_1198 = tpu.matmul %get3A_5, %get3A_1196, %dot_general3A_1197 {dimension_numbers = #tpu.dot_dimension_numbers<[0], [0], [1], [1], [0, 1, 1, 1], [], []>, transpose_lhs_hint = false} : vector<32x512xf32>, vector<32x128xf32>, vector<512x128xf32> -> vector<512x128xf32>
    %get3A_1199 = arith.constant 0 : index
    %get3A_1200 = arith.constant 7808 : index
    %get3A_1201 = vector.load %arg4[%get3A_1199, %get3A_1200] : memref<1x8192xf32, #tpu.memory_space<vmem>>, vector<1x128xf32>
    %get3A_1202 = vector.shape_cast %get3A_1201 : vector<1x128xf32> to vector<128xf32>
    %broadcast_in_dim3A_1203 = vector.shape_cast %get3A_1202 : vector<128xf32> to vector<1x128xf32>
    %add3A_1204 = vector.broadcast %get3A_8 : vector<512x1xf32> to vector<512x128xf32>
    %add3A_1205 = vector.broadcast %broadcast_in_dim3A_1203 : vector<1x128xf32> to vector<512x128xf32>
    %add3A_1206 = arith.addf %add3A_1204, %add3A_1205 : vector<512x128xf32>
    %sub3A_1207 = arith.subf %add3A_1206, %dot_general3A_1198 : vector<512x128xf32>
    %get3A_1208 = arith.constant 0 : index
    %get3A_1209 = arith.constant 7936 : index
    %get3A_1210 = vector.load %arg8[%get3A_1208, %get3A_1209] : memref<32x8192xf32, #tpu.memory_space<vmem>>, vector<32x128xf32>
    %dot_general3A_1211 = arith.constant dense<0.000000e+00> : vector<512x128xf32>
    %dot_general3A_1212 = tpu.matmul %get3A_5, %get3A_1210, %dot_general3A_1211 {dimension_numbers = #tpu.dot_dimension_numbers<[0], [0], [1], [1], [0, 1, 1, 1], [], []>, transpose_lhs_hint = false} : vector<32x512xf32>, vector<32x128xf32>, vector<512x128xf32> -> vector<512x128xf32>
    %get3A_1213 = arith.constant 0 : index
    %get3A_1214 = arith.constant 7936 : index
    %get3A_1215 = vector.load %arg4[%get3A_1213, %get3A_1214] : memref<1x8192xf32, #tpu.memory_space<vmem>>, vector<1x128xf32>
    %get3A_1216 = vector.shape_cast %get3A_1215 : vector<1x128xf32> to vector<128xf32>
    %broadcast_in_dim3A_1217 = vector.shape_cast %get3A_1216 : vector<128xf32> to vector<1x128xf32>
    %add3A_1218 = vector.broadcast %get3A_8 : vector<512x1xf32> to vector<512x128xf32>
    %add3A_1219 = vector.broadcast %broadcast_in_dim3A_1217 : vector<1x128xf32> to vector<512x128xf32>
    %add3A_1220 = arith.addf %add3A_1218, %add3A_1219 : vector<512x128xf32>
    %sub3A_1221 = arith.subf %add3A_1220, %dot_general3A_1212 : vector<512x128xf32>
    %get3A_1222 = arith.constant 0 : index
    %get3A_1223 = arith.constant 8064 : index
    %get3A_1224 = vector.load %arg8[%get3A_1222, %get3A_1223] : memref<32x8192xf32, #tpu.memory_space<vmem>>, vector<32x128xf32>
    %dot_general3A_1225 = arith.constant dense<0.000000e+00> : vector<512x128xf32>
    %dot_general3A_1226 = tpu.matmul %get3A_5, %get3A_1224, %dot_general3A_1225 {dimension_numbers = #tpu.dot_dimension_numbers<[0], [0], [1], [1], [0, 1, 1, 1], [], []>, transpose_lhs_hint = false} : vector<32x512xf32>, vector<32x128xf32>, vector<512x128xf32> -> vector<512x128xf32>
    %get3A_1227 = arith.constant 0 : index
    %get3A_1228 = arith.constant 8064 : index
    %get3A_1229 = vector.load %arg4[%get3A_1227, %get3A_1228] : memref<1x8192xf32, #tpu.memory_space<vmem>>, vector<1x128xf32>
    %get3A_1230 = vector.shape_cast %get3A_1229 : vector<1x128xf32> to vector<128xf32>
    %broadcast_in_dim3A_1231 = vector.shape_cast %get3A_1230 : vector<128xf32> to vector<1x128xf32>
    %add3A_1232 = vector.broadcast %get3A_8 : vector<512x1xf32> to vector<512x128xf32>
    %add3A_1233 = vector.broadcast %broadcast_in_dim3A_1231 : vector<1x128xf32> to vector<512x128xf32>
    %add3A_1234 = arith.addf %add3A_1232, %add3A_1233 : vector<512x128xf32>
    %sub3A_1235 = arith.subf %add3A_1234, %dot_general3A_1226 : vector<512x128xf32>
    %lt3A_1236 = arith.cmpf olt, %sub3A_1207, %sub3A_1193 : vector<512x128xf32>
    %min3A_1237 = arith.minimumf %sub3A_1193, %sub3A_1207 : vector<512x128xf32>
    %jit3A_1238 = arith.constant 1 : i32
    %jit3A_1239 = arith.constant 0 : i32
    %broadcast_in_dim3A_1240 = vector.broadcast %jit3A_1238 : i32 to vector<512x128xi32>
    %broadcast_in_dim3A_1241 = vector.broadcast %jit3A_1239 : i32 to vector<512x128xi32>
    %select_n3A_1242 = arith.select %lt3A_1236, %broadcast_in_dim3A_1240, %broadcast_in_dim3A_1241 : vector<512x128xi1>, vector<512x128xi32>
    %lt3A_1243 = arith.cmpf olt, %sub3A_1235, %sub3A_1221 : vector<512x128xf32>
    %min3A_1244 = arith.minimumf %sub3A_1221, %sub3A_1235 : vector<512x128xf32>
    %jit3A_1245 = arith.constant 3 : i32
    %jit3A_1246 = arith.constant 2 : i32
    %broadcast_in_dim3A_1247 = vector.broadcast %jit3A_1245 : i32 to vector<512x128xi32>
    %broadcast_in_dim3A_1248 = vector.broadcast %jit3A_1246 : i32 to vector<512x128xi32>
    %select_n3A_1249 = arith.select %lt3A_1243, %broadcast_in_dim3A_1247, %broadcast_in_dim3A_1248 : vector<512x128xi1>, vector<512x128xi32>
    %lt3A_1250 = arith.cmpf olt, %min3A_1244, %min3A_1237 : vector<512x128xf32>
    %min3A_1251 = arith.minimumf %min3A_1237, %min3A_1244 : vector<512x128xf32>
    %select_n3A_1252 = arith.select %lt3A_1250, %select_n3A_1249, %select_n3A_1242 : vector<512x128xi1>, vector<512x128xi32>
    %lt3A_1253 = arith.cmpf olt, %min3A_1251, %min3A_1175 : vector<512x128xf32>
    %min3A_1254 = arith.minimumf %min3A_1175, %min3A_1251 : vector<512x128xf32>
    %add3A_1255 = arith.constant 60 : i32
    %add3A_1256 = vector.broadcast %add3A_1255 : i32 to vector<512x128xi32>
    %add3A_1257 = arith.addi %select_n3A_1252, %add3A_1256 : vector<512x128xi32>
    %select_n3A_1258 = arith.select %lt3A_1253, %add3A_1257, %select_n3A_1179 : vector<512x128xi1>, vector<512x128xi32>
    %reduce_min3A = arith.constant dense<0x7F800000> : vector<512xf32>
    %reduce_min3A_1259 = vector.multi_reduction <minimumf>, %min3A_1254, %reduce_min3A [1] : vector<512x128xf32> to vector<512xf32>
    %broadcast_in_dim3A_1260 = vector.shape_cast %reduce_min3A_1259 : vector<512xf32> to vector<512x1xf32>
    %mul3A = arith.constant 128 : i32
    %mul3A_1261 = vector.broadcast %mul3A : i32 to vector<512x128xi32>
    %mul3A_1262 = arith.muli %select_n3A_1258, %mul3A_1261 : vector<512x128xi32>
    %iota3A = tpu.iota {dimensions = array<i32: 1>} : vector<512x128xi32>
    %add3A_1263 = arith.addi %mul3A_1262, %iota3A : vector<512x128xi32>
    %eq3A_1264 = vector.broadcast %broadcast_in_dim3A_1260 : vector<512x1xf32> to vector<512x128xf32>
    %eq3A_1265 = arith.cmpf oeq, %min3A_1254, %eq3A_1264 : vector<512x128xf32>
    %jit3A_1266 = arith.constant 8192 : i32
    %broadcast_in_dim3A_1267 = vector.broadcast %jit3A_1266 : i32 to vector<512x128xi32>
    %select_n3A_1268 = arith.select %eq3A_1265, %add3A_1263, %broadcast_in_dim3A_1267 : vector<512x128xi1>, vector<512x128xi32>
    %reduce_min3A_1269 = arith.constant dense<2147483647> : vector<512xi32>
    %reduce_min3A_1270 = vector.multi_reduction <minsi>, %select_n3A_1268, %reduce_min3A_1269 [1] : vector<512x128xi32> to vector<512xi32>
    %swap3A = arith.constant 0 : index
    %swap3A_1271 = vector.load %arg5[%swap3A] : memref<512xi32, #tpu.memory_space<vmem>>, vector<512xi32>
    tpu.vector_store %arg5[%swap3A], %reduce_min3A_1270 {strides = array<i32>} : memref<512xi32, #tpu.memory_space<vmem>>, vector<512xi32>,
    %eq3A_1272 = arith.constant 0 : i32
    %eq3A_1273 = arith.cmpi eq, %arg0, %eq3A_1272 : i32
    %convert_element_type3A_1274 = arith.extui %eq3A_1273 : i1 to i32
    %cond3A_1275 = arith.constant 0 : i32
    %cond3A_1276 = arith.cmpi ne, %convert_element_type3A_1274, %cond3A_1275 : i32
    scf.if %cond3A_1276 {
      %swap3A_1291 = arith.constant 0.000000e+00 : f32
      %swap3A_1292 = arith.constant 0 : index
      %swap3A_1293 = memref.load %arg7[%swap3A_1292] : memref<1xf32, #tpu.memory_space<smem>>
      memref.store %swap3A_1291, %arg7[%swap3A_1292] : memref<1xf32, #tpu.memory_space<smem>>
    } else {
    }
    %get3A_1277 = arith.constant 0 : index
    %get3A_1278 = memref.load %arg7[%get3A_1277] : memref<1xf32, #tpu.memory_space<smem>>
    %reduce_sum3A = vector.shape_cast %broadcast_in_dim3A_1260 : vector<512x1xf32> to vector<1x512x1xf32>
    %reduce_sum3A_1279 = arith.constant dense<0.000000e+00> : vector<1xf32>
    %reduce_sum3A_1280 = vector.multi_reduction <add>, %reduce_sum3A, %reduce_sum3A_1279 [1, 2] : vector<1x512x1xf32> to vector<1xf32>
    %reduce_sum3A_1281 = vector.shape_cast %reduce_sum3A_1280 : vector<1xf32> to vector<1x1x1xf32>
    %reduce_sum3A_1282 = vector.extract %reduce_sum3A_1281[0, 0, 0] : f32 from vector<1x1x1xf32>
    %add3A_1283 = arith.addf %get3A_1278, %reduce_sum3A_1282 : f32
    %swap3A_1284 = arith.constant 0 : index
    %swap3A_1285 = memref.load %arg7[%swap3A_1284] : memref<1xf32, #tpu.memory_space<smem>>
    memref.store %add3A_1283, %arg7[%swap3A_1284] : memref<1xf32, #tpu.memory_space<smem>>
    %eq3A_1286 = arith.constant 7 : i32
    %eq3A_1287 = arith.cmpi eq, %arg0, %eq3A_1286 : i32
    %convert_element_type3A_1288 = arith.extui %eq3A_1287 : i1 to i32
    %cond3A_1289 = arith.constant 0 : i32
    %cond3A_1290 = arith.cmpi ne, %convert_element_type3A_1288, %cond3A_1289 : i32
    scf.if %cond3A_1290 {
      %get3A_1291 = arith.constant 0 : index
      %get3A_1292 = memref.load %arg7[%get3A_1291] : memref<1xf32, #tpu.memory_space<smem>>
      %mul3A_1293 = arith.constant 9.53674316E-6 : f32
      %mul3A_1294 = arith.mulf %get3A_1292, %mul3A_1293 : f32
      %broadcast_in_dim3A_1295 = vector.broadcast %mul3A_1294 : f32 to vector<1x1xf32>
      %swap3A_1296 = arith.constant 0 : index
      %swap3A_1297 = arith.constant 0 : index
      %swap3A_1298 = vector.load %arg6[%swap3A_1296, %swap3A_1297] : memref<1x1xf32, #tpu.memory_space<vmem>>, vector<1x1xf32>
      tpu.vector_store %arg6[%swap3A_1296, %swap3A_1297], %broadcast_in_dim3A_1295 {strides = array<i32>} : memref<1x1xf32, #tpu.memory_space<vmem>>, vector<1x1xf32>,
    } else {
    }
    return
  }
  func.func @transform_0(%arg0: i32) -> (i32, i32, i32) {
    %jit3A = arith.constant 2 : i32
    %div3A = arith.divsi %arg0, %jit3A : i32
    %sign3A = arith.constant 0 : i32
    %sign3A_0 = arith.cmpi sgt, %arg0, %sign3A : i32
    %sign3A_1 = arith.extui %sign3A_0 : i1 to i32
    %sign3A_2 = arith.constant 0 : i32
    %sign3A_3 = arith.cmpi slt, %arg0, %sign3A_2 : i32
    %sign3A_4 = arith.extui %sign3A_3 : i1 to i32
    %sign3A_5 = arith.subi %sign3A_1, %sign3A_4 : i32
    %sign3A_6 = arith.constant 0 : i32
    %sign3A_7 = arith.cmpi sgt, %jit3A, %sign3A_6 : i32
    %sign3A_8 = arith.extui %sign3A_7 : i1 to i32
    %sign3A_9 = arith.constant 0 : i32
    %sign3A_10 = arith.cmpi slt, %jit3A, %sign3A_9 : i32
    %sign3A_11 = arith.extui %sign3A_10 : i1 to i32
    %sign3A_12 = arith.subi %sign3A_8, %sign3A_11 : i32
    %ne3A = arith.cmpi ne, %sign3A_5, %sign3A_12 : i32
    %rem3A = arith.remsi %arg0, %jit3A : i32
    %ne3A_13 = arith.constant 0 : i32
    %ne3A_14 = arith.cmpi ne, %rem3A, %ne3A_13 : i32
    %and3A = arith.andi %ne3A, %ne3A_14 : i1
    %sub3A = arith.constant 1 : i32
    %sub3A_15 = arith.subi %div3A, %sub3A : i32
    %select_n3A = arith.select %and3A, %sub3A_15, %div3A : i32
    %jit3A_16 = arith.constant 2 : i32
    %eq3A = arith.constant 0 : i32
    %eq3A_17 = arith.cmpi eq, %jit3A_16, %eq3A : i32
    %jit3A_18 = arith.constant 1 : i32
    %select_n3A_19 = arith.select %eq3A_17, %jit3A_18, %jit3A_16 : i32
    %rem3A_20 = arith.remsi %arg0, %select_n3A_19 : i32
    %ne3A_21 = arith.constant 0 : i32
    %ne3A_22 = arith.cmpi ne, %rem3A_20, %ne3A_21 : i32
    %lt3A = arith.constant 0 : i32
    %lt3A_23 = arith.cmpi slt, %rem3A_20, %lt3A : i32
    %lt3A_24 = arith.constant 0 : i32
    %lt3A_25 = arith.cmpi slt, %select_n3A_19, %lt3A_24 : i32
    %ne3A_26 = arith.xori %lt3A_23, %lt3A_25 : i1
    %and3A_27 = arith.andi %ne3A_26, %ne3A_22 : i1
    %add3A = arith.addi %rem3A_20, %select_n3A_19 : i32
    %select_n3A_28 = arith.select %and3A_27, %add3A, %rem3A_20 : i32
    %c0_i32 = arith.constant 0 : i32
    %c0_i32_29 = arith.constant 0 : i32
    return %select_n3A, %c0_i32, %select_n3A_28 : i32, i32, i32
  }
  func.func @transform_1(%arg0: i32) -> (i32, i32) {
    %c0_i32 = arith.constant 0 : i32
    %c0_i32_0 = arith.constant 0 : i32
    %c0_i32_1 = arith.constant 0 : i32
    return %c0_i32, %c0_i32_0 : i32, i32
  }
  func.func @transform_2(%arg0: i32) -> (i32, i32) {
    %c0_i32 = arith.constant 0 : i32
    %c0_i32_0 = arith.constant 0 : i32
    return %arg0, %c0_i32 : i32, i32
  }
  func.func @transform_3(%arg0: i32) -> (i32, i32) {
    %c0_i32 = arith.constant 0 : i32
    %c0_i32_0 = arith.constant 0 : i32
    %c0_i32_1 = arith.constant 0 : i32
    return %c0_i32, %c0_i32_0 : i32, i32
  }
  func.func @transform_4(%arg0: i32) -> i32 {
    %c0_i32 = arith.constant 0 : i32
    return %arg0 : i32
  }
  func.func @transform_5(%arg0: i32) -> (i32, i32) {
    %c0_i32 = arith.constant 0 : i32
    %c0_i32_0 = arith.constant 0 : i32
    %c0_i32_1 = arith.constant 0 : i32
    return %c0_i32, %c0_i32_0 : i32, i32
  }
}

</mosaic_0001>

<sc_bundles>
// kernel: kernel.4.cloned.1.call-start
scs
__scs_entry_jumppad:
0x0: {  	(pc) =	sbr.rel $0x88, $3  }
0x1: {  	(tag) =	ssettag $0x0;
	lr =	simm.s32 $0x1  }
0x2: {  	[smem:$0x3F9F] =	sst lr;
	_ =	strace $0xD0000000  }
0x3: {  	_ = 	snop  }
0x4: {  	_ = 	snop  }
0x5: {  	_ = 	snop  }
0x6: {  	_ = 	snop  }
0x7: {  	_ = 	snop  }
__scs_overlays_trampoline_lowered:
0x8: {  	[smem:$0x3FAE] =	sst s0  }
0x9: {  	[smem:$0x3FAF] =	sst s1  }
0xa: {  	[smem:$0x3FB0] =	sst s2  }
0xb: {  	[smem:$0x3FB1] =	sst s3  }
0xc: {  	[smem:$0x3FB2] =	sst s4  }
0xd: {  	[smem:$0x3FB3] =	sst s5  }
0xe: {  	[smem:$0x3FB4] =	sst s6  }
0xf: {  	[smem:$0x3FB5] =	sst s7  }
0x10: {  	[smem:$0x3FB6] =	sst s8  }
0x11: {  	[smem:$0x3FB7] =	sst s9;
	s0 =	simm.s32 @!p0 $0x0  }
0x12: {  	s1 =	sld [smem:$0x3F9D];
	s0 =	simm.s32 @p0 $0x1  }
0x13: {  	[smem:$0x3FB8] =	sst s0;
	s0 =	simm.s32 @!p1 $0x0  }
0x14: {  	s2 =	sld [smem:$0x3F9C];
	s0 =	simm.s32 @p1 $0x1  }
0x15: {  	[smem:$0x3FB9] =	sst s0;
	s0 =	simm.s32 @!p2 $0x0  }
0x16: {  	s3 =	sld [smem:$0x3FDB];
	s0 =	simm.s32 @p2 $0x1  }
0x17: {  	s4 =	simm.s32 $0x1BF5;
	[smem:$0x3FBB] =	sst s0  }
0x18: {  	s0 =	sld [smem:$0x3F9E];
	_ =	swait.ge [sflag:s4], $0x0  }
0x19: {  	s7 =	sld [smem:$0x3F9F]  }
0x1a: {  	s8 =	sadd.s32 $0xFFFFE003, lr  }
0x1b: {  	s9 =	sadd.s32 $0xFFFFFEF7, lr;
	s5 =	simm.s32 $0xFFFFFFFF;
	p2 =	slt.u32 s8, $0xFFFFF086  }
0x1c: {  	p1 =	slt.u32 s9, $0xF7A;
	s5 =	simm.s32 @!p2 $0x0  }
0x1d: {  	s5 =	simm.s32 @p1 $0x1;
	p0 =	seq.s32 s7, s2  }
0x1e: {  	s7 =	smul.u32 @!p0 $0xF7A, s2;
	p2 =	seq.s32 @!p0 s5, $0x0  }
0x1f: {  	s9 =	smul.u32 $0xF7A, s1;
	s8 =	simm.s32 @!p0 $0x1BF5;
	p2 =	por !p2, p0  }
0x20: {  	[sflag:s8] =	ssyncset.s32 @!p0 $0xFFFFF086;
	s6 =	sadd.s32 @!p0 s3, s7;
	s7 =	simm.s32 @!p0 $0x108  }
0x21: {  	s3 =	sadd.s32 s3, s9;
	s6 =	sadd.s32 @!p0 $0x88, s6;
	s7 =	simm.s32 @p2 $0x1082  }
0x22: {  	[simem:s7], [sflag:s8] =	dma.local @!p0 [hbm:s6], $0xF7A  }
0x23: {  	s9 =	sor.u32 $0xD0000000, s2;
	s6 =	simm.s32 $0x108;
	_ =	swait.ge @!p0 [sflag:s8], $0x0  }
0x24: {  	s3 =	sadd.s32 $0x88, s3;
	s6 =	simm.s32 @!p1 $0x1082;
	[sflag:s4] =	ssyncset.s32 $0xFFFFF086  }
0x25: {  	[simem:s6], [sflag:s4] =	dma.local [hbm:s3], $0xF7A  }
0x26: {  	[smem:$0x3F9F] =	sst s1;
	(tag) =	ssettag s2;
	_ =	strace s9  }
0x27: {  	s1 =	sld [smem:$0x3FAF]  }
0x28: {  	s2 =	sld [smem:$0x3FB0]  }
0x29: {  	s4 =	sld [smem:$0x3FB2]  }
0x2a: {  	p0 =	seq.s32 s5, $0x0;
	s5 =	sld [smem:$0x3FB3]  }
0x2b: {  	s6 =	sld [smem:$0x3FB4]  }
0x2c: {  	s7 =	sld [smem:$0x3FB5]  }
0x2d: {  	s3 =	simm.s32 $0x108;
	s8 =	sld [smem:$0x3FB6]  }
0x2e: {  	s3 =	simm.s32 @!p0 $0x1082;
	s9 =	sld [smem:$0x3FB7]  }
0x2f: {  	lr =	sadd.s32 s0, s3;
	s0 =	sld [smem:$0x3FAE]  }
0x30: {  	s3 =	sld [smem:$0x3FB1]  }
0x31: {  	[smem:$0x3FBA] =	sst s10  }
0x32: {  	s10 =	sld [smem:$0x3FB8];
	_ =	sdelay $0x3  }
0x33: {  	p0 =	seq.s32 s10, $0x1;
	s10 =	sld [smem:$0x3FBA];
	_ =	sdelay $0x3  }
0x34: {  	[smem:$0x3FBA] =	sst s10  }
0x35: {  	s10 =	sld [smem:$0x3FB9];
	_ =	sdelay $0x3  }
0x36: {  	p1 =	seq.s32 s10, $0x1;
	s10 =	sld [smem:$0x3FBA];
	_ =	sdelay $0x3  }
0x37: {  	[smem:$0x3FBA] =	sst s10  }
0x38: {  	s10 =	sld [smem:$0x3FBB]  }
0x39: {  	_ = 	snop;
	(pc) =	sbr.ind lr, $3  }
0x3a: {  	_ = 	snop  }
0x3b: {  	_ = 	snop  }
0x3c: {  	p2 =	seq.s32 s10, $0x1;
	s10 =	sld [smem:$0x3FBA]  }
0x3d: {  	_ =	shalt  }
0x3e: {  	_ =	shalt  }
0x3f: {  	_ =	shalt  }
0x40: {  	_ =	shalt  }
0x41: {  	_ =	shalt  }
0x42: {  	_ =	shalt  }
0x43: {  	_ =	shalt  }
0x44: {  	_ =	shalt  }
0x45: {  	_ =	shalt  }
0x46: {  	_ =	shalt  }
0x47: {  	_ =	shalt  }
0x48: {  	_ =	shalt  }
0x49: {  	_ =	shalt  }
0x4a: {  	_ =	shalt  }
0x4b: {  	_ =	shalt  }
0x4c: {  	_ =	shalt  }
0x4d: {  	_ =	shalt  }
0x4e: {  	_ =	shalt  }
0x4f: {  	_ =	shalt  }
0x50: {  	_ =	shalt  }
0x51: {  	_ =	shalt  }
0x52: {  	_ =	shalt  }
0x53: {  	_ =	shalt  }
0x54: {  	_ =	shalt  }
0x55: {  	_ =	shalt  }
0x56: {  	_ =	shalt  }
0x57: {  	_ =	shalt  }
0x58: {  	_ =	shalt  }
0x59: {  	_ =	shalt  }
0x5a: {  	_ =	shalt  }
0x5b: {  	_ =	shalt  }
0x5c: {  	_ =	shalt  }
0x5d: {  	_ =	shalt  }
0x5e: {  	_ =	shalt  }
0x5f: {  	_ =	shalt  }
0x60: {  	_ =	shalt  }
0x61: {  	_ =	shalt  }
0x62: {  	_ =	shalt  }
0x63: {  	_ =	shalt  }
0x64: {  	_ =	shalt  }
0x65: {  	_ =	shalt  }
0x66: {  	_ =	shalt  }
0x67: {  	_ =	shalt  }
0x68: {  	_ =	shalt  }
0x69: {  	_ =	shalt  }
0x6a: {  	_ =	shalt  }
0x6b: {  	_ =	shalt  }
0x6c: {  	_ =	shalt  }
0x6d: {  	_ =	shalt  }
0x6e: {  	_ =	shalt  }
0x6f: {  	_ =	shalt  }
0x70: {  	_ =	shalt  }
0x71: {  	_ =	shalt  }
0x72: {  	_ =	shalt  }
0x73: {  	_ =	shalt  }
0x74: {  	_ =	shalt  }
0x75: {  	_ =	shalt  }
0x76: {  	_ =	shalt  }
0x77: {  	_ =	shalt  }
0x78: {  	_ =	shalt  }
0x79: {  	_ =	shalt  }
0x7a: {  	_ =	shalt  }
0x7b: {  	_ =	shalt  }
0x7c: {  	_ =	shalt  }
0x7d: {  	_ =	shalt  }
0x7e: {  	_ =	shalt  }
0x7f: {  	_ =	shalt  }
0x80: {  	_ =	shalt  }
0x81: {  	_ =	shalt  }
0x82: {  	_ =	shalt  }
0x83: {  	_ =	shalt  }
0x84: {  	_ =	shalt  }
0x85: {  	_ =	shalt  }
0x86: {  	_ =	shalt  }
0x87: {  	_ =	shalt  }
.Lfunc_end0:
.L_simem_size_0:
called_computation_lowered:
.L_overlay_start_0:
0x88: {  	s2 =	sld [smem:$0x3FD9]  }
0x89: {  	s3 =	sld [smem:$0x3FFE];
	_ =	sdelay $0x1  }
0x8a: {  	s1 =	srdreg.scid  }
0x8b: {  	s0 =	sand.u32 $0x1, s1  }
0x8c: {  	s14 =	sshll.u32 s0, $0xA;
	s2 =	sadd.s32 s3, s2  }
0x8d: {  	s2 =	sadd.s32 s2, s14  }
0x8e: {  	[smem:$0x3FC6] =	sst s2  }
0x8f: {  	_ = 	snop  }
0x90: {  	s2 =	sld [smem:$0x3FD0];
	_ =	sdelay $0x2  }
0x91: {  	s15 =	simm.s32 $0xA;
	s4 =	simm.s32 $0x10  }
0x92: {  	[smem:s4], [sflag:s15] =	dma.local [hbm:s2], $0x1  }
0x93: {  	_ =	swait.eq [sflag:s15], $0x1  }
0x94: {  	[sflag:s15] =	ssyncset.done $0x0  }
0x95: {  	[sflag:s15] =	ssyncadd.s32 $0xFFFFFFFF  }
0x96: {  	s16 =	sld [smem:$0x10];
	(tm) =	ssettm $0x1  }
0x97: {  	s17 =	sld [smem:$0x3FFB];
	_ =	sdelay $0x3  }
0x98: {  	_ =	strace s17  }
0x99: {  	s3 =	sld [smem:$0x3FFC];
	_ =	sdelay $0x3  }
0x9a: {  	_ =	strace s3  }
0x9b: {  	s3 =	sld [smem:$0x3FFD];
	_ =	sdelay $0x3  }
0x9c: {  	_ =	strace s3  }
0x9d: {  	_ =	strace $0x8FFFFFFF  }
0x9e: {  	s18 =	sld [smem:$0x3FDB];
	_ =	sdelay $0x1  }
0x9f: {  	s19 =	simm.s32 $_scs_section_size  }
0xa0: {  	s5 =	simm.s32 $_size__tile_overlayer_lowered;
	s6 =	simm.s32 $_tile_overlayer_lowered  }
0xa1: {  	s22 =	simm.s32 $0x1BFF;
	s21 =	sshll.u32 s6, $0x1;
	s3 =	sadd.s32 s19, s18  }
0xa2: {  	s7 =	simm.s32 $0x0;
	s20 =	sshll.u32 s5, $0x1;
	s5 =	sadd.s32 s21, s3  }
0xa3: {  	[timem:s7], [sflag:s22] =	dma.local [hbm:s5], s20  }
0xa4: {  	_ =	swait.ge [sflag:s22], s20  }
0xa5: {  	s4 =	ssub.s32 $0x0, s20;
	[sflag:s22] =	ssyncset.done $0x0  }
0xa6: {  	[sflag:s22] =	ssyncadd.s32 s4;
	_ =	sdelay $0x1  }
0xa7: {  	s23 =	simm.s32 $0x1B8B  }
0xa8: {  	_ =	swait.ge [sflag:s23], $0x1  }
0xa9: {  	[sflag:s23] =	ssyncset.done $0x0  }
0xaa: {  	s25 =	simm.s32 $0x1B8E;
	s24 =	sld [smem:$0x3FFE];
	[sflag:s23] =	ssyncadd.s32 $0xFFFFFFFF  }
0xab: {  	s26 =	simm.s32 $execute0_lowered;
	[smem:$0x3FD2] =	sst s25  }
0xac: {  	s5 =	sshll.u32 s26, $0x1;
	_ =	strace $0x80000046;
	[dreg:$0x1] =	wrdreg $0xFFFFFFFF  }
0xad: {  	s28 =	simm.s32 $_size_execute0_lowered;
	s3 =	sadd.s32 s3, s5;
	[dreg:$0x0] =	wrdreg $0x0  }
0xae: {  	s5 =	sshll.u32 s28, $0x1;
	[dreg:$0x2] =	wrdreg s3  }
0xaf: {  	[dreg:$0x3] =	wrdreg s5  }
0xb0: {  	[dreg:$0x4] =	wrdreg $0xC0  }
0xb1: {  	_ =	task [dreg:s7], $0x5FFFF  }
0xb2: {  	[dreg:$0x1] =	wrdreg $0xFFFFFFFF  }
0xb3: {  	[dreg:$0x0] =	wrdreg $0x60  }
0xb4: {  	[dreg:$0x2] =	wrdreg s24  }
0xb5: {  	[dreg:$0x3] =	wrdreg s16  }
0xb6: {  	[dreg:$0x4] =	wrdreg $0x9  }
0xb7: {  	_ =	task.clear_ibuf [dreg:s7], $0x5FFFF;
	_ =	strace $0x90000046  }
0xb8: {  	s29 =	simm.s32 $0x9;
	_ =	strace $0x80000048  }
0xb9: {  	_ =	swait.ge [sflag:s29], $0x1  }
0xba: {  	[sflag:s29] =	ssyncadd.s32 $0xFFFFFFFF  }
0xbb: {  	_ =	strace $0x90000048  }
0xbc: {  	_ =	sfence  }
0xbd: {  	s30 =	sld [smem:$0x0];
	_ =	sdelay $0x2  }
0xbe: {  	s31 =	sshll.u32 s1, $0xD;
	s1 =	sshrl.u32 s1, $0x2  }
0xbf: {  	s3 =	sand.u32 $0x4000, s31;
	s1 =	sadd.s32 s1, s30  }
0xc0: {  	s0 =	sor.u32 s3, s0;
	s1 =	sshll.u32 s1, $0x11  }
0xc1: {  	s0 =	sor.u32 s1, s0  }
0xc2: {  	s0 =	sadd.s32 $0x8F2B, s0  }
0xc3: {  	[sflag:s0] =	ssyncadd.remote.s32 $0x1  }
0xc4: {  	_ =	sfence.sel $0xFFFF  }
0xc5: {  	[dreg:$0x0] =	wrdreg $0xFFFFFFFF;
	(pc) =	sbr.abs _section_cstart, $3  }
0xc6: {  	[dreg:$0x1] =	wrdreg $0xFFFFFFFF  }
0xc7: {  	_ =	task.clear_ibuf [dreg:s7], $0x2FFFF;
	_ =	strace $0x9FFFFFFF  }
0xc8: {  	(tm) =	ssettm $0x7FFFFFFF  }
0xc9: {  	_ =	shalt  }
tec
execute0_lowered:
.L_overlay_start_1:
0x0: {  	(tag) =	ssettag $0x1  }
0x1: {  	s5 =	rddreg [dreg:$0x0];
	s1 =	srdreg.scid  }
0x2: {  	s0 =	stileid.u32;
	s8 =	rddreg [dreg:$0x1];
	s2 =	simm.s32 $0x0  }
0x3: {  	s3 =	sand.u32 $0x1, s1;
	s4 =	sshll.u32 s0, $0x1;
	s1 =	rddreg [dreg:$0x2]  }
0x4: {  	[smem:$0x7FF] =	sst s2;
	s9 =	sor.u32 s3, s4  }
0x5: {  	s11 =	sshll.u32 s0, $0xA;
	_ =	strace $0x80000047;
	s4 =	sshll.u32 s9, $0x4  }
0x6: {  	s6 =	ssub.s32 $0x2, s3;
	s3 =	simm.s32 $0x2;
	s4 =	sadd.s32 s4, s5  }
0x7: {  	s11 =	sand.u32 $0x3000, s11;
	s7 =	sshrl.u32 s6, $0x1;
	s4 =	sadd.s32 $0x8200, s4  }
0x8: {  	[tilespmem:s2], [sflag:$0x2] =	stream.linear.gather [hbm4b:s4+s2], $0x80, $0x38;
	[tilespmem:$0x1080] =	vst v63  }
0x9: {  	s9 =	sshll.u32 s9, $0x9;
	s5 =	sadd.s32 $0x200, s5;
	_ =	swait.ge [sflag:s3], $0x80  }
0xa: {  	s10 =	ssub.s32 s6, s7;
	s6 =	simm.s32 $0x80;
	[sflag:s3] =	ssyncset.done $0x0  }
0xb: {  	s7 =	simm.s32 $0x1;
	s31 =	smax.u32 s10, $0x1;
	[sflag:s3] =	ssyncadd.s32 $0xFFFFFF80  }
0xc: {  	[tilespmem:s6], [sflag:$0x1] =	stream.indirect.gather [hbm4b:s5+s6], $0x20, s2, s6, $0xb8;
	[tilespmem:$0x1080] =	vst v63  }
0xd: {  	s8 =	sadd.s32 s8, s11;
	p0 =	sne.s32 s31, $0x1;
	_ =	swait.ge [sflag:s7], $0x1000  }
.Ltmp0:
0xe: {  	s9 =	sand.u32 $0xE00, s9;
	[sflag:s7] =	ssyncset.done $0x0;
	(pc) =	sbr.rel @!p0 .LBB2_2-.Ltmp0, $4  }
0xf: {  	s8 =	sadd.s32 s9, s8;
	[sflag:s7] =	ssyncadd.s32 $0xFFFFF000  }
0x10: {  	[hbm4b:s8+s2] =	stream.linear.scatter [tilespmem:s6], [sflag:$0x2], $0x1000, $0x38;
	[tilespmem:$0x1080] =	vst v63  }
0x11: {  	_ =	swait.ge [sflag:s3], $0x1000  }
0x12: {  	s9 =	sadd.s32 $0xFFFFFFFF, s31;
	[sflag:s3] =	ssyncset.done $0x0  }
.LBB2_1:
0x13: {  	p0 =	sne.s32 s9, $0x1;
	s9 =	sadd.s32 $0xFFFFFFFF, s9;
	[sflag:s3] =	ssyncadd.s32 $0xFFFFF000  }
0x14: {  	[tilespmem:s2], [sflag:$0x2] =	stream.linear.gather [hbm4b:s4+s2], $0x80, $0x38;
	[tilespmem:$0x1080] =	vst v63  }
0x15: {  	_ =	swait.ge [sflag:s3], $0x80  }
0x16: {  	[sflag:s3] =	ssyncset.done $0x0  }
0x17: {  	[sflag:s3] =	ssyncadd.s32 $0xFFFFFF80  }
0x18: {  	[tilespmem:s6], [sflag:$0x1] =	stream.indirect.gather [hbm4b:s5+s6], $0x20, s2, s6, $0xb8;
	[tilespmem:$0x1080] =	vst v63  }
0x19: {  	_ =	swait.ge [sflag:s7], $0x1000  }
.Ltmp1:
0x1a: {  	[sflag:s7] =	ssyncset.done $0x0;
	(pc) =	sbr.rel @p0 .LBB2_1-.Ltmp1, $4  }
0x1b: {  	[sflag:s7] =	ssyncadd.s32 $0xFFFFF000  }
0x1c: {  	[hbm4b:s8+s2] =	stream.linear.scatter [tilespmem:s6], [sflag:$0x2], $0x1000, $0x38;
	[tilespmem:$0x1080] =	vst v63  }
0x1d: {  	_ =	swait.ge [sflag:s3], $0x1000  }
0x1e: {  	[sflag:s3] =	ssyncset.done $0x0  }
.LBB2_2:
0x1f: {  	[sflag:s3] =	ssyncadd.s32 $0xFFFFF000  }
0x20: {  	_ =	sfence.sel $0x180000  }
0x21: {  	[bflag:$0x0] =	sbarrier.arrive $0xFFFF  }
0x22: {  	p0 =	sne.s32 s0, $0x0;
	_ =	strace $0x90000047  }
0x23: {  	s0 =	sadd.s32 @!p0 $0x100000, s1;
	[bflag:$0x2] =	sbarrier.arrive $0xFFFF  }
0x24: {  	[sflag:s0] =	ssyncadd.tile.s32 @!p0 $0x1;
	_ =	shalt  }
.Lfunc_end2:
_tile_overlayer_lowered:
.L_overlay_start_2:
0x25: {  	(tag) =	ssettag $0x2  }
0x26: {  	s0 =	rddreg [dreg:$0x0];
	s2 =	stileid.u32  }
0x27: {  	s1 =	rddreg [dreg:$0x1];
	p0 =	sne.s32 s2, $0x0  }
0x28: {  	s3 =	rddreg [dreg:$0x2];
	[bflag:$0x3] =	sbarrier.arrive $0xFFFF;
	s2 =	simm.s32 @!p0 $0x1C02  }
0x29: {  	[timem:s3], [sflag:s2] =	dma.local @!p0 [hbm:s0], s1  }
0x2a: {  	s0 =	simm.s32 @!p0 $0x2  }
0x2b: {  	_ =	swait.ge @!p0 [sflag:s0], s1  }
0x2c: {  	s1 =	ssub.s32 @!p0 $0x0, s1;
	[sflag:s0] =	ssyncset.done @!p0 $0x0  }
0x2d: {  	[sflag:s0] =	ssyncadd.s32 @!p0 s1  }
0x2e: {  	[bflag:$0x3] =	sbarrier.arrive $0xFFFF  }
0x2f: {  	_ =	shalt  }

</sc_bundles>
